<compile_context>
chip_gen: v7x
topology: tpu7x:2x2x1
jax: 0.10.2.dev20260603
libtpu: 0.0.44.dev20260713+nightly
codegen_flags: <defaults>
</compile_context>

<pallas_src>
import functools

import jax
import jax.numpy as jnp
from jax import lax
from jax.experimental import pallas as pl
from jax.experimental.pallas import tpu as pltpu
from jax.experimental.pallas import tpu_sc as plsc

NC = 2
NS = 16
L = 16
NW = NC * NS
IDX_CHUNK = 128

_SC_PARAMS = pltpu.CompilerParams(
    needs_layout_passes=False, use_tc_tiling_on_sc=False)

_MESH = dict(core_axis_name="c", subcore_axis_name="s")


@functools.cache
def _build_arch(B, D, A):
    assert B % (8 * NW) == 0
    bpw = B // NW
    assert bpw % IDX_CHUNK == 0

    @functools.partial(
        pl.kernel,
        out_type=jax.ShapeDtypeStruct((B, D), jnp.float32),
        mesh=plsc.VectorSubcoreMesh(**_MESH),
        scratch_types=[
            pltpu.VMEM((bpw,), jnp.int32),
            pltpu.VMEM_SHARED((A, D), jnp.float32),
            pltpu.VMEM((bpw, D), jnp.float32),
            pltpu.SemaphoreType.DMA,
        ],
        compiler_params=_SC_PARAMS,
    )
    def arch(atab, aids_hbm, out_hbm, aids_v, atab_sh, rows_v, sem):
        sid = lax.axis_index("s")
        wid = sid * NC + lax.axis_index("c")
        base = wid * bpw

        @pl.when(sid == 0)
        def _stage():
            pltpu.sync_copy(atab, atab_sh)

        pltpu.sync_copy(aids_hbm.at[pl.ds(base, bpw)], aids_v)
        plsc.subcore_barrier()

        copies = []
        for j in range(bpw // IDX_CHUNK):
            sl = pl.ds(j * IDX_CHUNK, IDX_CHUNK)
            copies.append(
                pltpu.async_copy(atab_sh.at[aids_v.at[sl]], rows_v.at[sl],
                                 sem))
        for c in copies:
            c.wait()

        pltpu.sync_copy(rows_v, out_hbm.at[pl.ds(base, bpw)])

    return arch


@functools.cache
def _build_general(B, D, V, A):
    bpw = B // NW
    nch = bpw // IDX_CHUNK
    ngr = bpw // L

    @functools.partial(
        pl.kernel,
        out_type=jax.ShapeDtypeStruct((B, D), jnp.float32),
        mesh=plsc.VectorSubcoreMesh(**_MESH),
        scratch_types=[
            pltpu.VMEM((bpw,), jnp.int32),
            pltpu.VMEM((bpw,), jnp.int32),
            pltpu.VMEM((bpw,), jnp.int32),
            pltpu.VMEM((bpw,), jnp.int32),
            pltpu.VMEM((bpw,), jnp.int32),
            pltpu.VMEM((bpw, D), jnp.float32),
            pltpu.VMEM((bpw, D), jnp.float32),
            pltpu.SemaphoreType.DMA,
            pltpu.SemaphoreType.DMA,
            pltpu.SemaphoreType.DMA,
        ],
        compiler_params=_SC_PARAMS,
    )
    def bank(utab, atab, ids_hbm, aids_hbm, mwords_hbm, out_hbm,
             ids_v, aids_v, cids_v, widx_v, words_v, arows_v, urows_v,
             sem_a, sem_m, sem_u):
        wid = lax.axis_index("s") * NC + lax.axis_index("c")
        base = wid * bpw

        pltpu.sync_copy(ids_hbm.at[pl.ds(base, bpw)], ids_v)
        pltpu.sync_copy(aids_hbm.at[pl.ds(base, bpw)], aids_v)

        for g in range(ngr):
            sl = pl.ds(g * L, L)
            v = jnp.minimum(jnp.maximum(ids_v[sl], 0), V - 1)
            cids_v[sl] = v
            widx_v[sl] = v >> 2

        copies = []
        for j in range(nch):
            sl = pl.ds(j * IDX_CHUNK, IDX_CHUNK)
            copies.append(
                pltpu.async_copy(atab.at[aids_v.at[sl]], arows_v.at[sl], sem_a))
            copies.append(
                pltpu.async_copy(mwords_hbm.at[widx_v.at[sl]], words_v.at[sl],
                                 sem_m))
            copies.append(
                pltpu.async_copy(utab.at[cids_v.at[sl]], urows_v.at[sl], sem_u))
        for c in copies:
            c.wait()

        lanes = lax.iota(jnp.int32, L)

        def merge_group(g, _):
            sl = pl.ds(g * L, L)
            cid = cids_v[sl]
            known = ((words_v[sl] >> ((cid & 3) * 8)) & 0xFF) != 0
            rows = g * L + lanes

            def merge_col(col, _):
                cvec = jnp.full((L,), col, jnp.int32)
                u = plsc.load_gather(urows_v, [rows, cvec])
                plsc.store_scatter(arows_v, [rows, cvec], u, mask=known)
                return 0

            lax.fori_loop(0, D, merge_col, 0)
            return 0

        lax.fori_loop(0, ngr, merge_group, 0)

        pltpu.sync_copy(arows_v, out_hbm.at[pl.ds(base, bpw)])

    return bank


def kernel(user_table, archetype_table, user_ids, archetype_ids,
           known_user_mask, batch_size):
    V, D = user_table.shape
    A = archetype_table.shape[0]
    B = user_ids.shape[0]
    assert V % 4 == 0

    aids = archetype_ids.astype(jnp.int32)
    any_known = jnp.any(known_user_mask)

    def cold(_):
        ids = user_ids.astype(jnp.int32)
        mw8 = known_user_mask.reshape(-1, 4).astype(jnp.int32)
        mwords = (mw8[:, 0] | (mw8[:, 1] << 8) | (mw8[:, 2] << 16)
                  | (mw8[:, 3] << 24))
        return _build_general(B, D, V, A)(
            user_table, archetype_table, ids, aids, mwords)

    def hot(_):
        return _build_arch(B, D, A)(archetype_table, aids)

    return lax.cond(any_known, cold, hot, 0)

# --- scband reference (transcript-rebuilt; emitter-appended) ---
"""Pipeline reference for scband-user-embedding-bank-72593537237487 (READ-ONLY COPY).

The authoritative reference and input builder live on the scoring server;
editing this copy changes nothing except your own understanding.
"""

import jax, jax.numpy as jnp
import numpy as np

N_USERS = 1000000
EMBED_DIM = 64
BATCH = 16384
N_ARCHETYPES = 4


def setup_inputs(seed: int = 0) -> dict:
    key = jax.random.key(seed)
    k1, k2, k3, k4 = jax.random.split(key, 4)
    user_table = jax.random.normal(k1, (N_USERS, EMBED_DIM), dtype=jnp.float32)
    archetype_table = jax.random.normal(k2, (N_ARCHETYPES, EMBED_DIM), dtype=jnp.float32)
    user_ids = jax.random.randint(k3, (BATCH,), 0, N_USERS, dtype=jnp.int64) if jax.config.jax_enable_x64 else jax.random.randint(k3, (BATCH,), 0, N_USERS, dtype=jnp.int32)
    archetype_ids = jax.random.randint(k4, (BATCH,), 0, N_ARCHETYPES, dtype=jnp.int32)
    # known_user_mask buffer initializes to all-False in the torch module
    known_user_mask = jnp.zeros((N_USERS,), dtype=jnp.bool_)
    return {
        "user_table": user_table,
        "archetype_table": archetype_table,
        "user_ids": user_ids,
        "archetype_ids": archetype_ids,
        "known_user_mask": known_user_mask,
        "batch_size": BATCH,
    }


def reference(user_table, archetype_table, user_ids, archetype_ids, known_user_mask, batch_size):
    # resolve(): override is None, user_ids and archetype_ids provided
    safe_ids = jnp.clip(user_ids, 0, user_table.shape[0] - 1)
    embeddings = jnp.take(user_table, safe_ids, axis=0)          # gather [B, D]
    known = jnp.take(known_user_mask, safe_ids, axis=0)           # gather [B]
    arch_ids = archetype_ids.astype(jnp.int32)
    archetype_embeddings = jnp.take(archetype_table, arch_ids, axis=0)  # gather [B, D]
    resolved = jnp.where(known[:, None], embeddings, archetype_embeddings)
    return resolved

if __name__ == "__main__":
    import jax
    _d = setup_inputs()
    print(jax.jit(kernel)(*tuple(_d.values())))

</pallas_src>

<mosaic_0001>
#map = affine_map<(d0, d1) -> (0, 0)>
#map1 = affine_map<(d0, d1) -> (0)>
module attributes {stable_mosaic.version = 14 : i64} {
  func.func @arch(%arg0: i32, %arg1: i32, %arg2: memref<4x64xf32, #tpu.memory_space<hbm>>, %arg3: memref<16384xi32, #tpu.memory_space<hbm>>, %arg4: memref<16384x64xf32, #tpu.memory_space<hbm>>, %arg5: memref<512xi32, #tpu.memory_space<vmem>>, %arg6: memref<4x64xf32, #tpu.memory_space<vmem_shared>>, %arg7: memref<512x64xf32, #tpu.memory_space<vmem>>, %arg8: memref<!tpu.dma_semaphore, #tpu.memory_space<semaphore_mem>>) attributes {dimension_semantics = [#tpu.dimension_semantics<core_parallel>, #tpu.dimension_semantics<subcore_parallel>], iteration_bounds = array<i64: 2, 16>, scalar_prefetch = 0 : i64, scratch_operands = 4 : i64, tpu.core_type = #tpu.core_type<sc_vector_subcore>, window_params = [{transform_indices = #map}, {transform_indices = #map1}, {transform_indices = #map}]} {
    %mul3A = arith.constant 2 : i32
    %mul3A_0 = arith.muli %arg1, %mul3A : i32
    %add3A = arith.addi %mul3A_0, %arg0 : i32
    %mul3A_1 = arith.constant 512 : i32
    %mul3A_2 = arith.muli %add3A, %mul3A_1 : i32
    %eq3A = arith.constant 0 : i32
    %eq3A_3 = arith.cmpi eq, %arg1, %eq3A : i32
    %convert_element_type3A = arith.extui %eq3A_3 : i1 to i32
    %cond3A = arith.constant 0 : i32
    %cond3A_4 = arith.cmpi ne, %convert_element_type3A, %cond3A : i32
    scf.if %cond3A_4 {
      "tpu.region"() ({
        %run_scoped3A = tpu.sem_alloc : memref<!tpu.dma_semaphore, #tpu.memory_space<semaphore_mem>>
        tpu.enqueue_dma source(%arg2 : memref<4x64xf32, #tpu.memory_space<hbm>>) target(%arg6 : memref<4x64xf32, #tpu.memory_space<vmem_shared>>) target_semaphore(%run_scoped3A : memref<!tpu.dma_semaphore, #tpu.memory_space<semaphore_mem>>)
        tpu.wait_dma2 semaphore(%run_scoped3A : memref<!tpu.dma_semaphore, #tpu.memory_space<semaphore_mem>>) src(%arg2 : memref<4x64xf32, #tpu.memory_space<hbm>>) dst(%arg6 : memref<4x64xf32, #tpu.memory_space<vmem_shared>>)
        tpu.yield
      }) : () -> ()
    } else {
    }
    "tpu.region"() ({
      %run_scoped3A = tpu.sem_alloc : memref<!tpu.dma_semaphore, #tpu.memory_space<semaphore_mem>>
      %dma_start3A_67 = tpu.memref_slice %arg3[%mul3A_2] : memref<16384xi32, #tpu.memory_space<hbm>> -> memref<512xi32, #tpu.memory_space<hbm>>
      %dma_start3A_68 = tpu.memref_slice %arg3[%mul3A_2] : memref<16384xi32, #tpu.memory_space<hbm>> -> memref<512xi32, #tpu.memory_space<hbm>>
      tpu.enqueue_dma source(%dma_start3A_68 : memref<512xi32, #tpu.memory_space<hbm>>) target(%arg5 : memref<512xi32, #tpu.memory_space<vmem>>) target_semaphore(%run_scoped3A : memref<!tpu.dma_semaphore, #tpu.memory_space<semaphore_mem>>)
      %dma_wait3A_69 = tpu.memref_slice %arg3[%mul3A_2] : memref<16384xi32, #tpu.memory_space<hbm>> -> memref<512xi32, #tpu.memory_space<hbm>>
      %dma_wait3A_70 = tpu.memref_slice %arg3[%mul3A_2] : memref<16384xi32, #tpu.memory_space<hbm>> -> memref<512xi32, #tpu.memory_space<hbm>>
      tpu.wait_dma2 semaphore(%run_scoped3A : memref<!tpu.dma_semaphore, #tpu.memory_space<semaphore_mem>>) src(%dma_wait3A_70 : memref<512xi32, #tpu.memory_space<hbm>>) dst(%arg5 : memref<512xi32, #tpu.memory_space<vmem>>)
      tpu.yield
    }) : () -> ()
    %barrier3A = arith.constant 0 : index
    tpu.barrier barrier_id(%barrier3A)
    %dma_start3A = arith.constant 0 : i32
    %dma_start3A_5 = arith.constant 0 : i32
    %dma_start3A_6 = tpu.memref_slice %arg7[%dma_start3A, %dma_start3A_5] : memref<512x64xf32, #tpu.memory_space<vmem>> -> memref<128x64xf32, #tpu.memory_space<vmem>>
    %dma_start3A_7 = arith.constant 0 : i32
    %dma_start3A_8 = tpu.memref_slice %arg5[%dma_start3A_7] : memref<512xi32, #tpu.memory_space<vmem>> -> memref<128xi32, #tpu.memory_space<vmem>>
    %dma_start3A_9 = arith.constant 0 : i32
    %dma_start3A_10 = arith.constant 0 : i32
    %dma_start3A_11 = tpu.memref_slice %arg6[%dma_start3A_9, %dma_start3A_10] : memref<4x64xf32, #tpu.memory_space<vmem_shared>> -> memref<4x64xf32, #tpu.memory_space<vmem_shared>>
    tpu.enqueue_indirect_dma source(%dma_start3A_11 : memref<4x64xf32, #tpu.memory_space<vmem_shared>>) target(%dma_start3A_6 : memref<128x64xf32, #tpu.memory_space<vmem>>) offsets(%dma_start3A_8 : memref<128xi32, #tpu.memory_space<vmem>>) semaphore(%arg8 : memref<!tpu.dma_semaphore, #tpu.memory_space<semaphore_mem>>)
    %dma_start3A_12 = arith.constant 128 : i32
    %dma_start3A_13 = arith.constant 0 : i32
    %dma_start3A_14 = tpu.memref_slice %arg7[%dma_start3A_12, %dma_start3A_13] : memref<512x64xf32, #tpu.memory_space<vmem>> -> memref<128x64xf32, #tpu.memory_space<vmem>>
    %dma_start3A_15 = arith.constant 128 : i32
    %dma_start3A_16 = tpu.memref_slice %arg5[%dma_start3A_15] : memref<512xi32, #tpu.memory_space<vmem>> -> memref<128xi32, #tpu.memory_space<vmem>>
    %dma_start3A_17 = arith.constant 0 : i32
    %dma_start3A_18 = arith.constant 0 : i32
    %dma_start3A_19 = tpu.memref_slice %arg6[%dma_start3A_17, %dma_start3A_18] : memref<4x64xf32, #tpu.memory_space<vmem_shared>> -> memref<4x64xf32, #tpu.memory_space<vmem_shared>>
    tpu.enqueue_indirect_dma source(%dma_start3A_19 : memref<4x64xf32, #tpu.memory_space<vmem_shared>>) target(%dma_start3A_14 : memref<128x64xf32, #tpu.memory_space<vmem>>) offsets(%dma_start3A_16 : memref<128xi32, #tpu.memory_space<vmem>>) semaphore(%arg8 : memref<!tpu.dma_semaphore, #tpu.memory_space<semaphore_mem>>)
    %dma_start3A_20 = arith.constant 256 : i32
    %dma_start3A_21 = arith.constant 0 : i32
    %dma_start3A_22 = tpu.memref_slice %arg7[%dma_start3A_20, %dma_start3A_21] : memref<512x64xf32, #tpu.memory_space<vmem>> -> memref<128x64xf32, #tpu.memory_space<vmem>>
    %dma_start3A_23 = arith.constant 256 : i32
    %dma_start3A_24 = tpu.memref_slice %arg5[%dma_start3A_23] : memref<512xi32, #tpu.memory_space<vmem>> -> memref<128xi32, #tpu.memory_space<vmem>>
    %dma_start3A_25 = arith.constant 0 : i32
    %dma_start3A_26 = arith.constant 0 : i32
    %dma_start3A_27 = tpu.memref_slice %arg6[%dma_start3A_25, %dma_start3A_26] : memref<4x64xf32, #tpu.memory_space<vmem_shared>> -> memref<4x64xf32, #tpu.memory_space<vmem_shared>>
    tpu.enqueue_indirect_dma source(%dma_start3A_27 : memref<4x64xf32, #tpu.memory_space<vmem_shared>>) target(%dma_start3A_22 : memref<128x64xf32, #tpu.memory_space<vmem>>) offsets(%dma_start3A_24 : memref<128xi32, #tpu.memory_space<vmem>>) semaphore(%arg8 : memref<!tpu.dma_semaphore, #tpu.memory_space<semaphore_mem>>)
    %dma_start3A_28 = arith.constant 384 : i32
    %dma_start3A_29 = arith.constant 0 : i32
    %dma_start3A_30 = tpu.memref_slice %arg7[%dma_start3A_28, %dma_start3A_29] : memref<512x64xf32, #tpu.memory_space<vmem>> -> memref<128x64xf32, #tpu.memory_space<vmem>>
    %dma_start3A_31 = arith.constant 384 : i32
    %dma_start3A_32 = tpu.memref_slice %arg5[%dma_start3A_31] : memref<512xi32, #tpu.memory_space<vmem>> -> memref<128xi32, #tpu.memory_space<vmem>>
    %dma_start3A_33 = arith.constant 0 : i32
    %dma_start3A_34 = arith.constant 0 : i32
    %dma_start3A_35 = tpu.memref_slice %arg6[%dma_start3A_33, %dma_start3A_34] : memref<4x64xf32, #tpu.memory_space<vmem_shared>> -> memref<4x64xf32, #tpu.memory_space<vmem_shared>>
    tpu.enqueue_indirect_dma source(%dma_start3A_35 : memref<4x64xf32, #tpu.memory_space<vmem_shared>>) target(%dma_start3A_30 : memref<128x64xf32, #tpu.memory_space<vmem>>) offsets(%dma_start3A_32 : memref<128xi32, #tpu.memory_space<vmem>>) semaphore(%arg8 : memref<!tpu.dma_semaphore, #tpu.memory_space<semaphore_mem>>)
    %dma_wait3A = arith.constant 0 : i32
    %dma_wait3A_36 = arith.constant 0 : i32
    %dma_wait3A_37 = tpu.memref_slice %arg7[%dma_wait3A, %dma_wait3A_36] : memref<512x64xf32, #tpu.memory_space<vmem>> -> memref<128x64xf32, #tpu.memory_space<vmem>>
    %dma_wait3A_38 = arith.constant 0 : i32
    %dma_wait3A_39 = tpu.memref_slice %arg5[%dma_wait3A_38] : memref<512xi32, #tpu.memory_space<vmem>> -> memref<128xi32, #tpu.memory_space<vmem>>
    %dma_wait3A_40 = arith.constant 0 : i32
    %dma_wait3A_41 = arith.constant 0 : i32
    %dma_wait3A_42 = tpu.memref_slice %arg6[%dma_wait3A_40, %dma_wait3A_41] : memref<4x64xf32, #tpu.memory_space<vmem_shared>> -> memref<4x64xf32, #tpu.memory_space<vmem_shared>>
    tpu.wait_indirect_dma semaphore(%arg8 : memref<!tpu.dma_semaphore, #tpu.memory_space<semaphore_mem>>) src(%dma_wait3A_42 : memref<4x64xf32, #tpu.memory_space<vmem_shared>>) dst(%dma_wait3A_37 : memref<128x64xf32, #tpu.memory_space<vmem>>)
    %dma_wait3A_43 = arith.constant 128 : i32
    %dma_wait3A_44 = arith.constant 0 : i32
    %dma_wait3A_45 = tpu.memref_slice %arg7[%dma_wait3A_43, %dma_wait3A_44] : memref<512x64xf32, #tpu.memory_space<vmem>> -> memref<128x64xf32, #tpu.memory_space<vmem>>
    %dma_wait3A_46 = arith.constant 128 : i32
    %dma_wait3A_47 = tpu.memref_slice %arg5[%dma_wait3A_46] : memref<512xi32, #tpu.memory_space<vmem>> -> memref<128xi32, #tpu.memory_space<vmem>>
    %dma_wait3A_48 = arith.constant 0 : i32
    %dma_wait3A_49 = arith.constant 0 : i32
    %dma_wait3A_50 = tpu.memref_slice %arg6[%dma_wait3A_48, %dma_wait3A_49] : memref<4x64xf32, #tpu.memory_space<vmem_shared>> -> memref<4x64xf32, #tpu.memory_space<vmem_shared>>
    tpu.wait_indirect_dma semaphore(%arg8 : memref<!tpu.dma_semaphore, #tpu.memory_space<semaphore_mem>>) src(%dma_wait3A_50 : memref<4x64xf32, #tpu.memory_space<vmem_shared>>) dst(%dma_wait3A_45 : memref<128x64xf32, #tpu.memory_space<vmem>>)
    %dma_wait3A_51 = arith.constant 256 : i32
    %dma_wait3A_52 = arith.constant 0 : i32
    %dma_wait3A_53 = tpu.memref_slice %arg7[%dma_wait3A_51, %dma_wait3A_52] : memref<512x64xf32, #tpu.memory_space<vmem>> -> memref<128x64xf32, #tpu.memory_space<vmem>>
    %dma_wait3A_54 = arith.constant 256 : i32
    %dma_wait3A_55 = tpu.memref_slice %arg5[%dma_wait3A_54] : memref<512xi32, #tpu.memory_space<vmem>> -> memref<128xi32, #tpu.memory_space<vmem>>
    %dma_wait3A_56 = arith.constant 0 : i32
    %dma_wait3A_57 = arith.constant 0 : i32
    %dma_wait3A_58 = tpu.memref_slice %arg6[%dma_wait3A_56, %dma_wait3A_57] : memref<4x64xf32, #tpu.memory_space<vmem_shared>> -> memref<4x64xf32, #tpu.memory_space<vmem_shared>>
    tpu.wait_indirect_dma semaphore(%arg8 : memref<!tpu.dma_semaphore, #tpu.memory_space<semaphore_mem>>) src(%dma_wait3A_58 : memref<4x64xf32, #tpu.memory_space<vmem_shared>>) dst(%dma_wait3A_53 : memref<128x64xf32, #tpu.memory_space<vmem>>)
    %dma_wait3A_59 = arith.constant 384 : i32
    %dma_wait3A_60 = arith.constant 0 : i32
    %dma_wait3A_61 = tpu.memref_slice %arg7[%dma_wait3A_59, %dma_wait3A_60] : memref<512x64xf32, #tpu.memory_space<vmem>> -> memref<128x64xf32, #tpu.memory_space<vmem>>
    %dma_wait3A_62 = arith.constant 384 : i32
    %dma_wait3A_63 = tpu.memref_slice %arg5[%dma_wait3A_62] : memref<512xi32, #tpu.memory_space<vmem>> -> memref<128xi32, #tpu.memory_space<vmem>>
    %dma_wait3A_64 = arith.constant 0 : i32
    %dma_wait3A_65 = arith.constant 0 : i32
    %dma_wait3A_66 = tpu.memref_slice %arg6[%dma_wait3A_64, %dma_wait3A_65] : memref<4x64xf32, #tpu.memory_space<vmem_shared>> -> memref<4x64xf32, #tpu.memory_space<vmem_shared>>
    tpu.wait_indirect_dma semaphore(%arg8 : memref<!tpu.dma_semaphore, #tpu.memory_space<semaphore_mem>>) src(%dma_wait3A_66 : memref<4x64xf32, #tpu.memory_space<vmem_shared>>) dst(%dma_wait3A_61 : memref<128x64xf32, #tpu.memory_space<vmem>>)
    "tpu.region"() ({
      %run_scoped3A = tpu.sem_alloc : memref<!tpu.dma_semaphore, #tpu.memory_space<semaphore_mem>>
      %dma_start3A_67 = arith.constant 0 : i32
      %dma_start3A_68 = tpu.memref_slice %arg4[%mul3A_2, %dma_start3A_67] : memref<16384x64xf32, #tpu.memory_space<hbm>> -> memref<512x64xf32, #tpu.memory_space<hbm>>
      %dma_start3A_69 = arith.constant 0 : i32
      %dma_start3A_70 = tpu.memref_slice %arg4[%mul3A_2, %dma_start3A_69] : memref<16384x64xf32, #tpu.memory_space<hbm>> -> memref<512x64xf32, #tpu.memory_space<hbm>>
      tpu.enqueue_dma source(%arg7 : memref<512x64xf32, #tpu.memory_space<vmem>>) target(%dma_start3A_70 : memref<512x64xf32, #tpu.memory_space<hbm>>) target_semaphore(%run_scoped3A : memref<!tpu.dma_semaphore, #tpu.memory_space<semaphore_mem>>)
      %dma_wait3A_71 = arith.constant 0 : i32
      %dma_wait3A_72 = tpu.memref_slice %arg4[%mul3A_2, %dma_wait3A_71] : memref<16384x64xf32, #tpu.memory_space<hbm>> -> memref<512x64xf32, #tpu.memory_space<hbm>>
      %dma_wait3A_73 = arith.constant 0 : i32
      %dma_wait3A_74 = tpu.memref_slice %arg4[%mul3A_2, %dma_wait3A_73] : memref<16384x64xf32, #tpu.memory_space<hbm>> -> memref<512x64xf32, #tpu.memory_space<hbm>>
      tpu.wait_dma2 semaphore(%run_scoped3A : memref<!tpu.dma_semaphore, #tpu.memory_space<semaphore_mem>>) src(%arg7 : memref<512x64xf32, #tpu.memory_space<vmem>>) dst(%dma_wait3A_74 : memref<512x64xf32, #tpu.memory_space<hbm>>)
      tpu.yield
    }) : () -> ()
    return
  }
}

#map = affine_map<(d0, d1) -> (0, 0)>
#map1 = affine_map<(d0, d1) -> (0)>
module attributes {stable_mosaic.version = 14 : i64} {
  func.func @bank(%arg0: i32, %arg1: i32, %arg2: memref<1000000x64xf32, #tpu.memory_space<hbm>>, %arg3: memref<4x64xf32, #tpu.memory_space<hbm>>, %arg4: memref<16384xi32, #tpu.memory_space<hbm>>, %arg5: memref<16384xi32, #tpu.memory_space<hbm>>, %arg6: memref<250000xi32, #tpu.memory_space<hbm>>, %arg7: memref<16384x64xf32, #tpu.memory_space<hbm>>, %arg8: memref<512xi32, #tpu.memory_space<vmem>>, %arg9: memref<512xi32, #tpu.memory_space<vmem>>, %arg10: memref<512xi32, #tpu.memory_space<vmem>>, %arg11: memref<512xi32, #tpu.memory_space<vmem>>, %arg12: memref<512xi32, #tpu.memory_space<vmem>>, %arg13: memref<512x64xf32, #tpu.memory_space<vmem>>, %arg14: memref<512x64xf32, #tpu.memory_space<vmem>>, %arg15: memref<!tpu.dma_semaphore, #tpu.memory_space<semaphore_mem>>, %arg16: memref<!tpu.dma_semaphore, #tpu.memory_space<semaphore_mem>>, %arg17: memref<!tpu.dma_semaphore, #tpu.memory_space<semaphore_mem>>) attributes {dimension_semantics = [#tpu.dimension_semantics<core_parallel>, #tpu.dimension_semantics<subcore_parallel>], iteration_bounds = array<i64: 2, 16>, scalar_prefetch = 0 : i64, scratch_operands = 10 : i64, tpu.core_type = #tpu.core_type<sc_vector_subcore>, window_params = [{transform_indices = #map}, {transform_indices = #map}, {transform_indices = #map1}, {transform_indices = #map1}, {transform_indices = #map1}, {transform_indices = #map}]} {
    %mul3A = arith.constant 2 : i32
    %mul3A_0 = arith.muli %arg1, %mul3A : i32
    %add3A = arith.addi %mul3A_0, %arg0 : i32
    %mul3A_1 = arith.constant 512 : i32
    %mul3A_2 = arith.muli %add3A, %mul3A_1 : i32
    "tpu.region"() ({
      %run_scoped3A = tpu.sem_alloc : memref<!tpu.dma_semaphore, #tpu.memory_space<semaphore_mem>>
      %dma_start3A_658 = tpu.memref_slice %arg4[%mul3A_2] : memref<16384xi32, #tpu.memory_space<hbm>> -> memref<512xi32, #tpu.memory_space<hbm>>
      %dma_start3A_659 = tpu.memref_slice %arg4[%mul3A_2] : memref<16384xi32, #tpu.memory_space<hbm>> -> memref<512xi32, #tpu.memory_space<hbm>>
      tpu.enqueue_dma source(%dma_start3A_659 : memref<512xi32, #tpu.memory_space<hbm>>) target(%arg8 : memref<512xi32, #tpu.memory_space<vmem>>) target_semaphore(%run_scoped3A : memref<!tpu.dma_semaphore, #tpu.memory_space<semaphore_mem>>)
      %dma_wait3A_660 = tpu.memref_slice %arg4[%mul3A_2] : memref<16384xi32, #tpu.memory_space<hbm>> -> memref<512xi32, #tpu.memory_space<hbm>>
      %dma_wait3A_661 = tpu.memref_slice %arg4[%mul3A_2] : memref<16384xi32, #tpu.memory_space<hbm>> -> memref<512xi32, #tpu.memory_space<hbm>>
      tpu.wait_dma2 semaphore(%run_scoped3A : memref<!tpu.dma_semaphore, #tpu.memory_space<semaphore_mem>>) src(%dma_wait3A_661 : memref<512xi32, #tpu.memory_space<hbm>>) dst(%arg8 : memref<512xi32, #tpu.memory_space<vmem>>)
      tpu.yield
    }) : () -> ()
    "tpu.region"() ({
      %run_scoped3A = tpu.sem_alloc : memref<!tpu.dma_semaphore, #tpu.memory_space<semaphore_mem>>
      %dma_start3A_658 = tpu.memref_slice %arg5[%mul3A_2] : memref<16384xi32, #tpu.memory_space<hbm>> -> memref<512xi32, #tpu.memory_space<hbm>>
      %dma_start3A_659 = tpu.memref_slice %arg5[%mul3A_2] : memref<16384xi32, #tpu.memory_space<hbm>> -> memref<512xi32, #tpu.memory_space<hbm>>
      tpu.enqueue_dma source(%dma_start3A_659 : memref<512xi32, #tpu.memory_space<hbm>>) target(%arg9 : memref<512xi32, #tpu.memory_space<vmem>>) target_semaphore(%run_scoped3A : memref<!tpu.dma_semaphore, #tpu.memory_space<semaphore_mem>>)
      %dma_wait3A_660 = tpu.memref_slice %arg5[%mul3A_2] : memref<16384xi32, #tpu.memory_space<hbm>> -> memref<512xi32, #tpu.memory_space<hbm>>
      %dma_wait3A_661 = tpu.memref_slice %arg5[%mul3A_2] : memref<16384xi32, #tpu.memory_space<hbm>> -> memref<512xi32, #tpu.memory_space<hbm>>
      tpu.wait_dma2 semaphore(%run_scoped3A : memref<!tpu.dma_semaphore, #tpu.memory_space<semaphore_mem>>) src(%dma_wait3A_661 : memref<512xi32, #tpu.memory_space<hbm>>) dst(%arg9 : memref<512xi32, #tpu.memory_space<vmem>>)
      tpu.yield
    }) : () -> ()
    %get3A = arith.constant 0 : index
    %get3A_3 = tpu.vector_load %arg8[%get3A] {strides = array<i32>} : memref<512xi32, #tpu.memory_space<vmem>>, vector<16xi32>,
    %max3A = arith.constant 0 : i32
    %max3A_4 = vector.broadcast %max3A : i32 to vector<16xi32>
    %max3A_5 = arith.maxsi %get3A_3, %max3A_4 : vector<16xi32>
    %min3A = arith.constant 999999 : i32
    %min3A_6 = vector.broadcast %min3A : i32 to vector<16xi32>
    %min3A_7 = arith.minsi %max3A_5, %min3A_6 : vector<16xi32>
    %swap3A = arith.constant 0 : index
    %swap3A_8 = tpu.vector_load %arg10[%swap3A] {strides = array<i32>} : memref<512xi32, #tpu.memory_space<vmem>>, vector<16xi32>,
    tpu.vector_store %arg10[%swap3A], %min3A_7 {strides = array<i32>} : memref<512xi32, #tpu.memory_space<vmem>>, vector<16xi32>,
    %shift_right_arithmetic3A = arith.constant 2 : i32
    %shift_right_arithmetic3A_9 = vector.broadcast %shift_right_arithmetic3A : i32 to vector<16xi32>
    %shift_right_arithmetic3A_10 = arith.shrsi %min3A_7, %shift_right_arithmetic3A_9 : vector<16xi32>
    %swap3A_11 = arith.constant 0 : index
    %swap3A_12 = tpu.vector_load %arg11[%swap3A_11] {strides = array<i32>} : memref<512xi32, #tpu.memory_space<vmem>>, vector<16xi32>,
    tpu.vector_store %arg11[%swap3A_11], %shift_right_arithmetic3A_10 {strides = array<i32>} : memref<512xi32, #tpu.memory_space<vmem>>, vector<16xi32>,
    %get3A_13 = arith.constant 16 : index
    %get3A_14 = tpu.vector_load %arg8[%get3A_13] {strides = array<i32>} : memref<512xi32, #tpu.memory_space<vmem>>, vector<16xi32>,
    %max3A_15 = arith.constant 0 : i32
    %max3A_16 = vector.broadcast %max3A_15 : i32 to vector<16xi32>
    %max3A_17 = arith.maxsi %get3A_14, %max3A_16 : vector<16xi32>
    %min3A_18 = arith.constant 999999 : i32
    %min3A_19 = vector.broadcast %min3A_18 : i32 to vector<16xi32>
    %min3A_20 = arith.minsi %max3A_17, %min3A_19 : vector<16xi32>
    %swap3A_21 = arith.constant 16 : index
    %swap3A_22 = tpu.vector_load %arg10[%swap3A_21] {strides = array<i32>} : memref<512xi32, #tpu.memory_space<vmem>>, vector<16xi32>,
    tpu.vector_store %arg10[%swap3A_21], %min3A_20 {strides = array<i32>} : memref<512xi32, #tpu.memory_space<vmem>>, vector<16xi32>,
    %shift_right_arithmetic3A_23 = arith.constant 2 : i32
    %shift_right_arithmetic3A_24 = vector.broadcast %shift_right_arithmetic3A_23 : i32 to vector<16xi32>
    %shift_right_arithmetic3A_25 = arith.shrsi %min3A_20, %shift_right_arithmetic3A_24 : vector<16xi32>
    %swap3A_26 = arith.constant 16 : index
    %swap3A_27 = tpu.vector_load %arg11[%swap3A_26] {strides = array<i32>} : memref<512xi32, #tpu.memory_space<vmem>>, vector<16xi32>,
    tpu.vector_store %arg11[%swap3A_26], %shift_right_arithmetic3A_25 {strides = array<i32>} : memref<512xi32, #tpu.memory_space<vmem>>, vector<16xi32>,
    %get3A_28 = arith.constant 32 : index
    %get3A_29 = tpu.vector_load %arg8[%get3A_28] {strides = array<i32>} : memref<512xi32, #tpu.memory_space<vmem>>, vector<16xi32>,
    %max3A_30 = arith.constant 0 : i32
    %max3A_31 = vector.broadcast %max3A_30 : i32 to vector<16xi32>
    %max3A_32 = arith.maxsi %get3A_29, %max3A_31 : vector<16xi32>
    %min3A_33 = arith.constant 999999 : i32
    %min3A_34 = vector.broadcast %min3A_33 : i32 to vector<16xi32>
    %min3A_35 = arith.minsi %max3A_32, %min3A_34 : vector<16xi32>
    %swap3A_36 = arith.constant 32 : index
    %swap3A_37 = tpu.vector_load %arg10[%swap3A_36] {strides = array<i32>} : memref<512xi32, #tpu.memory_space<vmem>>, vector<16xi32>,
    tpu.vector_store %arg10[%swap3A_36], %min3A_35 {strides = array<i32>} : memref<512xi32, #tpu.memory_space<vmem>>, vector<16xi32>,
    %shift_right_arithmetic3A_38 = arith.constant 2 : i32
    %shift_right_arithmetic3A_39 = vector.broadcast %shift_right_arithmetic3A_38 : i32 to vector<16xi32>
    %shift_right_arithmetic3A_40 = arith.shrsi %min3A_35, %shift_right_arithmetic3A_39 : vector<16xi32>
    %swap3A_41 = arith.constant 32 : index
    %swap3A_42 = tpu.vector_load %arg11[%swap3A_41] {strides = array<i32>} : memref<512xi32, #tpu.memory_space<vmem>>, vector<16xi32>,
    tpu.vector_store %arg11[%swap3A_41], %shift_right_arithmetic3A_40 {strides = array<i32>} : memref<512xi32, #tpu.memory_space<vmem>>, vector<16xi32>,
    %get3A_43 = arith.constant 48 : index
    %get3A_44 = tpu.vector_load %arg8[%get3A_43] {strides = array<i32>} : memref<512xi32, #tpu.memory_space<vmem>>, vector<16xi32>,
    %max3A_45 = arith.constant 0 : i32
    %max3A_46 = vector.broadcast %max3A_45 : i32 to vector<16xi32>
    %max3A_47 = arith.maxsi %get3A_44, %max3A_46 : vector<16xi32>
    %min3A_48 = arith.constant 999999 : i32
    %min3A_49 = vector.broadcast %min3A_48 : i32 to vector<16xi32>
    %min3A_50 = arith.minsi %max3A_47, %min3A_49 : vector<16xi32>
    %swap3A_51 = arith.constant 48 : index
    %swap3A_52 = tpu.vector_load %arg10[%swap3A_51] {strides = array<i32>} : memref<512xi32, #tpu.memory_space<vmem>>, vector<16xi32>,
    tpu.vector_store %arg10[%swap3A_51], %min3A_50 {strides = array<i32>} : memref<512xi32, #tpu.memory_space<vmem>>, vector<16xi32>,
    %shift_right_arithmetic3A_53 = arith.constant 2 : i32
    %shift_right_arithmetic3A_54 = vector.broadcast %shift_right_arithmetic3A_53 : i32 to vector<16xi32>
    %shift_right_arithmetic3A_55 = arith.shrsi %min3A_50, %shift_right_arithmetic3A_54 : vector<16xi32>
    %swap3A_56 = arith.constant 48 : index
    %swap3A_57 = tpu.vector_load %arg11[%swap3A_56] {strides = array<i32>} : memref<512xi32, #tpu.memory_space<vmem>>, vector<16xi32>,
    tpu.vector_store %arg11[%swap3A_56], %shift_right_arithmetic3A_55 {strides = array<i32>} : memref<512xi32, #tpu.memory_space<vmem>>, vector<16xi32>,
    %get3A_58 = arith.constant 64 : index
    %get3A_59 = tpu.vector_load %arg8[%get3A_58] {strides = array<i32>} : memref<512xi32, #tpu.memory_space<vmem>>, vector<16xi32>,
    %max3A_60 = arith.constant 0 : i32
    %max3A_61 = vector.broadcast %max3A_60 : i32 to vector<16xi32>
    %max3A_62 = arith.maxsi %get3A_59, %max3A_61 : vector<16xi32>
    %min3A_63 = arith.constant 999999 : i32
    %min3A_64 = vector.broadcast %min3A_63 : i32 to vector<16xi32>
    %min3A_65 = arith.minsi %max3A_62, %min3A_64 : vector<16xi32>
    %swap3A_66 = arith.constant 64 : index
    %swap3A_67 = tpu.vector_load %arg10[%swap3A_66] {strides = array<i32>} : memref<512xi32, #tpu.memory_space<vmem>>, vector<16xi32>,
    tpu.vector_store %arg10[%swap3A_66], %min3A_65 {strides = array<i32>} : memref<512xi32, #tpu.memory_space<vmem>>, vector<16xi32>,
    %shift_right_arithmetic3A_68 = arith.constant 2 : i32
    %shift_right_arithmetic3A_69 = vector.broadcast %shift_right_arithmetic3A_68 : i32 to vector<16xi32>
    %shift_right_arithmetic3A_70 = arith.shrsi %min3A_65, %shift_right_arithmetic3A_69 : vector<16xi32>
    %swap3A_71 = arith.constant 64 : index
    %swap3A_72 = tpu.vector_load %arg11[%swap3A_71] {strides = array<i32>} : memref<512xi32, #tpu.memory_space<vmem>>, vector<16xi32>,
    tpu.vector_store %arg11[%swap3A_71], %shift_right_arithmetic3A_70 {strides = array<i32>} : memref<512xi32, #tpu.memory_space<vmem>>, vector<16xi32>,
    %get3A_73 = arith.constant 80 : index
    %get3A_74 = tpu.vector_load %arg8[%get3A_73] {strides = array<i32>} : memref<512xi32, #tpu.memory_space<vmem>>, vector<16xi32>,
    %max3A_75 = arith.constant 0 : i32
    %max3A_76 = vector.broadcast %max3A_75 : i32 to vector<16xi32>
    %max3A_77 = arith.maxsi %get3A_74, %max3A_76 : vector<16xi32>
    %min3A_78 = arith.constant 999999 : i32
    %min3A_79 = vector.broadcast %min3A_78 : i32 to vector<16xi32>
    %min3A_80 = arith.minsi %max3A_77, %min3A_79 : vector<16xi32>
    %swap3A_81 = arith.constant 80 : index
    %swap3A_82 = tpu.vector_load %arg10[%swap3A_81] {strides = array<i32>} : memref<512xi32, #tpu.memory_space<vmem>>, vector<16xi32>,
    tpu.vector_store %arg10[%swap3A_81], %min3A_80 {strides = array<i32>} : memref<512xi32, #tpu.memory_space<vmem>>, vector<16xi32>,
    %shift_right_arithmetic3A_83 = arith.constant 2 : i32
    %shift_right_arithmetic3A_84 = vector.broadcast %shift_right_arithmetic3A_83 : i32 to vector<16xi32>
    %shift_right_arithmetic3A_85 = arith.shrsi %min3A_80, %shift_right_arithmetic3A_84 : vector<16xi32>
    %swap3A_86 = arith.constant 80 : index
    %swap3A_87 = tpu.vector_load %arg11[%swap3A_86] {strides = array<i32>} : memref<512xi32, #tpu.memory_space<vmem>>, vector<16xi32>,
    tpu.vector_store %arg11[%swap3A_86], %shift_right_arithmetic3A_85 {strides = array<i32>} : memref<512xi32, #tpu.memory_space<vmem>>, vector<16xi32>,
    %get3A_88 = arith.constant 96 : index
    %get3A_89 = tpu.vector_load %arg8[%get3A_88] {strides = array<i32>} : memref<512xi32, #tpu.memory_space<vmem>>, vector<16xi32>,
    %max3A_90 = arith.constant 0 : i32
    %max3A_91 = vector.broadcast %max3A_90 : i32 to vector<16xi32>
    %max3A_92 = arith.maxsi %get3A_89, %max3A_91 : vector<16xi32>
    %min3A_93 = arith.constant 999999 : i32
    %min3A_94 = vector.broadcast %min3A_93 : i32 to vector<16xi32>
    %min3A_95 = arith.minsi %max3A_92, %min3A_94 : vector<16xi32>
    %swap3A_96 = arith.constant 96 : index
    %swap3A_97 = tpu.vector_load %arg10[%swap3A_96] {strides = array<i32>} : memref<512xi32, #tpu.memory_space<vmem>>, vector<16xi32>,
    tpu.vector_store %arg10[%swap3A_96], %min3A_95 {strides = array<i32>} : memref<512xi32, #tpu.memory_space<vmem>>, vector<16xi32>,
    %shift_right_arithmetic3A_98 = arith.constant 2 : i32
    %shift_right_arithmetic3A_99 = vector.broadcast %shift_right_arithmetic3A_98 : i32 to vector<16xi32>
    %shift_right_arithmetic3A_100 = arith.shrsi %min3A_95, %shift_right_arithmetic3A_99 : vector<16xi32>
    %swap3A_101 = arith.constant 96 : index
    %swap3A_102 = tpu.vector_load %arg11[%swap3A_101] {strides = array<i32>} : memref<512xi32, #tpu.memory_space<vmem>>, vector<16xi32>,
    tpu.vector_store %arg11[%swap3A_101], %shift_right_arithmetic3A_100 {strides = array<i32>} : memref<512xi32, #tpu.memory_space<vmem>>, vector<16xi32>,
    %get3A_103 = arith.constant 112 : index
    %get3A_104 = tpu.vector_load %arg8[%get3A_103] {strides = array<i32>} : memref<512xi32, #tpu.memory_space<vmem>>, vector<16xi32>,
    %max3A_105 = arith.constant 0 : i32
    %max3A_106 = vector.broadcast %max3A_105 : i32 to vector<16xi32>
    %max3A_107 = arith.maxsi %get3A_104, %max3A_106 : vector<16xi32>
    %min3A_108 = arith.constant 999999 : i32
    %min3A_109 = vector.broadcast %min3A_108 : i32 to vector<16xi32>
    %min3A_110 = arith.minsi %max3A_107, %min3A_109 : vector<16xi32>
    %swap3A_111 = arith.constant 112 : index
    %swap3A_112 = tpu.vector_load %arg10[%swap3A_111] {strides = array<i32>} : memref<512xi32, #tpu.memory_space<vmem>>, vector<16xi32>,
    tpu.vector_store %arg10[%swap3A_111], %min3A_110 {strides = array<i32>} : memref<512xi32, #tpu.memory_space<vmem>>, vector<16xi32>,
    %shift_right_arithmetic3A_113 = arith.constant 2 : i32
    %shift_right_arithmetic3A_114 = vector.broadcast %shift_right_arithmetic3A_113 : i32 to vector<16xi32>
    %shift_right_arithmetic3A_115 = arith.shrsi %min3A_110, %shift_right_arithmetic3A_114 : vector<16xi32>
    %swap3A_116 = arith.constant 112 : index
    %swap3A_117 = tpu.vector_load %arg11[%swap3A_116] {strides = array<i32>} : memref<512xi32, #tpu.memory_space<vmem>>, vector<16xi32>,
    tpu.vector_store %arg11[%swap3A_116], %shift_right_arithmetic3A_115 {strides = array<i32>} : memref<512xi32, #tpu.memory_space<vmem>>, vector<16xi32>,
    %get3A_118 = arith.constant 128 : index
    %get3A_119 = tpu.vector_load %arg8[%get3A_118] {strides = array<i32>} : memref<512xi32, #tpu.memory_space<vmem>>, vector<16xi32>,
    %max3A_120 = arith.constant 0 : i32
    %max3A_121 = vector.broadcast %max3A_120 : i32 to vector<16xi32>
    %max3A_122 = arith.maxsi %get3A_119, %max3A_121 : vector<16xi32>
    %min3A_123 = arith.constant 999999 : i32
    %min3A_124 = vector.broadcast %min3A_123 : i32 to vector<16xi32>
    %min3A_125 = arith.minsi %max3A_122, %min3A_124 : vector<16xi32>
    %swap3A_126 = arith.constant 128 : index
    %swap3A_127 = tpu.vector_load %arg10[%swap3A_126] {strides = array<i32>} : memref<512xi32, #tpu.memory_space<vmem>>, vector<16xi32>,
    tpu.vector_store %arg10[%swap3A_126], %min3A_125 {strides = array<i32>} : memref<512xi32, #tpu.memory_space<vmem>>, vector<16xi32>,
    %shift_right_arithmetic3A_128 = arith.constant 2 : i32
    %shift_right_arithmetic3A_129 = vector.broadcast %shift_right_arithmetic3A_128 : i32 to vector<16xi32>
    %shift_right_arithmetic3A_130 = arith.shrsi %min3A_125, %shift_right_arithmetic3A_129 : vector<16xi32>
    %swap3A_131 = arith.constant 128 : index
    %swap3A_132 = tpu.vector_load %arg11[%swap3A_131] {strides = array<i32>} : memref<512xi32, #tpu.memory_space<vmem>>, vector<16xi32>,
    tpu.vector_store %arg11[%swap3A_131], %shift_right_arithmetic3A_130 {strides = array<i32>} : memref<512xi32, #tpu.memory_space<vmem>>, vector<16xi32>,
    %get3A_133 = arith.constant 144 : index
    %get3A_134 = tpu.vector_load %arg8[%get3A_133] {strides = array<i32>} : memref<512xi32, #tpu.memory_space<vmem>>, vector<16xi32>,
    %max3A_135 = arith.constant 0 : i32
    %max3A_136 = vector.broadcast %max3A_135 : i32 to vector<16xi32>
    %max3A_137 = arith.maxsi %get3A_134, %max3A_136 : vector<16xi32>
    %min3A_138 = arith.constant 999999 : i32
    %min3A_139 = vector.broadcast %min3A_138 : i32 to vector<16xi32>
    %min3A_140 = arith.minsi %max3A_137, %min3A_139 : vector<16xi32>
    %swap3A_141 = arith.constant 144 : index
    %swap3A_142 = tpu.vector_load %arg10[%swap3A_141] {strides = array<i32>} : memref<512xi32, #tpu.memory_space<vmem>>, vector<16xi32>,
    tpu.vector_store %arg10[%swap3A_141], %min3A_140 {strides = array<i32>} : memref<512xi32, #tpu.memory_space<vmem>>, vector<16xi32>,
    %shift_right_arithmetic3A_143 = arith.constant 2 : i32
    %shift_right_arithmetic3A_144 = vector.broadcast %shift_right_arithmetic3A_143 : i32 to vector<16xi32>
    %shift_right_arithmetic3A_145 = arith.shrsi %min3A_140, %shift_right_arithmetic3A_144 : vector<16xi32>
    %swap3A_146 = arith.constant 144 : index
    %swap3A_147 = tpu.vector_load %arg11[%swap3A_146] {strides = array<i32>} : memref<512xi32, #tpu.memory_space<vmem>>, vector<16xi32>,
    tpu.vector_store %arg11[%swap3A_146], %shift_right_arithmetic3A_145 {strides = array<i32>} : memref<512xi32, #tpu.memory_space<vmem>>, vector<16xi32>,
    %get3A_148 = arith.constant 160 : index
    %get3A_149 = tpu.vector_load %arg8[%get3A_148] {strides = array<i32>} : memref<512xi32, #tpu.memory_space<vmem>>, vector<16xi32>,
    %max3A_150 = arith.constant 0 : i32
    %max3A_151 = vector.broadcast %max3A_150 : i32 to vector<16xi32>
    %max3A_152 = arith.maxsi %get3A_149, %max3A_151 : vector<16xi32>
    %min3A_153 = arith.constant 999999 : i32
    %min3A_154 = vector.broadcast %min3A_153 : i32 to vector<16xi32>
    %min3A_155 = arith.minsi %max3A_152, %min3A_154 : vector<16xi32>
    %swap3A_156 = arith.constant 160 : index
    %swap3A_157 = tpu.vector_load %arg10[%swap3A_156] {strides = array<i32>} : memref<512xi32, #tpu.memory_space<vmem>>, vector<16xi32>,
    tpu.vector_store %arg10[%swap3A_156], %min3A_155 {strides = array<i32>} : memref<512xi32, #tpu.memory_space<vmem>>, vector<16xi32>,
    %shift_right_arithmetic3A_158 = arith.constant 2 : i32
    %shift_right_arithmetic3A_159 = vector.broadcast %shift_right_arithmetic3A_158 : i32 to vector<16xi32>
    %shift_right_arithmetic3A_160 = arith.shrsi %min3A_155, %shift_right_arithmetic3A_159 : vector<16xi32>
    %swap3A_161 = arith.constant 160 : index
    %swap3A_162 = tpu.vector_load %arg11[%swap3A_161] {strides = array<i32>} : memref<512xi32, #tpu.memory_space<vmem>>, vector<16xi32>,
    tpu.vector_store %arg11[%swap3A_161], %shift_right_arithmetic3A_160 {strides = array<i32>} : memref<512xi32, #tpu.memory_space<vmem>>, vector<16xi32>,
    %get3A_163 = arith.constant 176 : index
    %get3A_164 = tpu.vector_load %arg8[%get3A_163] {strides = array<i32>} : memref<512xi32, #tpu.memory_space<vmem>>, vector<16xi32>,
    %max3A_165 = arith.constant 0 : i32
    %max3A_166 = vector.broadcast %max3A_165 : i32 to vector<16xi32>
    %max3A_167 = arith.maxsi %get3A_164, %max3A_166 : vector<16xi32>
    %min3A_168 = arith.constant 999999 : i32
    %min3A_169 = vector.broadcast %min3A_168 : i32 to vector<16xi32>
    %min3A_170 = arith.minsi %max3A_167, %min3A_169 : vector<16xi32>
    %swap3A_171 = arith.constant 176 : index
    %swap3A_172 = tpu.vector_load %arg10[%swap3A_171] {strides = array<i32>} : memref<512xi32, #tpu.memory_space<vmem>>, vector<16xi32>,
    tpu.vector_store %arg10[%swap3A_171], %min3A_170 {strides = array<i32>} : memref<512xi32, #tpu.memory_space<vmem>>, vector<16xi32>,
    %shift_right_arithmetic3A_173 = arith.constant 2 : i32
    %shift_right_arithmetic3A_174 = vector.broadcast %shift_right_arithmetic3A_173 : i32 to vector<16xi32>
    %shift_right_arithmetic3A_175 = arith.shrsi %min3A_170, %shift_right_arithmetic3A_174 : vector<16xi32>
    %swap3A_176 = arith.constant 176 : index
    %swap3A_177 = tpu.vector_load %arg11[%swap3A_176] {strides = array<i32>} : memref<512xi32, #tpu.memory_space<vmem>>, vector<16xi32>,
    tpu.vector_store %arg11[%swap3A_176], %shift_right_arithmetic3A_175 {strides = array<i32>} : memref<512xi32, #tpu.memory_space<vmem>>, vector<16xi32>,
    %get3A_178 = arith.constant 192 : index
    %get3A_179 = tpu.vector_load %arg8[%get3A_178] {strides = array<i32>} : memref<512xi32, #tpu.memory_space<vmem>>, vector<16xi32>,
    %max3A_180 = arith.constant 0 : i32
    %max3A_181 = vector.broadcast %max3A_180 : i32 to vector<16xi32>
    %max3A_182 = arith.maxsi %get3A_179, %max3A_181 : vector<16xi32>
    %min3A_183 = arith.constant 999999 : i32
    %min3A_184 = vector.broadcast %min3A_183 : i32 to vector<16xi32>
    %min3A_185 = arith.minsi %max3A_182, %min3A_184 : vector<16xi32>
    %swap3A_186 = arith.constant 192 : index
    %swap3A_187 = tpu.vector_load %arg10[%swap3A_186] {strides = array<i32>} : memref<512xi32, #tpu.memory_space<vmem>>, vector<16xi32>,
    tpu.vector_store %arg10[%swap3A_186], %min3A_185 {strides = array<i32>} : memref<512xi32, #tpu.memory_space<vmem>>, vector<16xi32>,
    %shift_right_arithmetic3A_188 = arith.constant 2 : i32
    %shift_right_arithmetic3A_189 = vector.broadcast %shift_right_arithmetic3A_188 : i32 to vector<16xi32>
    %shift_right_arithmetic3A_190 = arith.shrsi %min3A_185, %shift_right_arithmetic3A_189 : vector<16xi32>
    %swap3A_191 = arith.constant 192 : index
    %swap3A_192 = tpu.vector_load %arg11[%swap3A_191] {strides = array<i32>} : memref<512xi32, #tpu.memory_space<vmem>>, vector<16xi32>,
    tpu.vector_store %arg11[%swap3A_191], %shift_right_arithmetic3A_190 {strides = array<i32>} : memref<512xi32, #tpu.memory_space<vmem>>, vector<16xi32>,
    %get3A_193 = arith.constant 208 : index
    %get3A_194 = tpu.vector_load %arg8[%get3A_193] {strides = array<i32>} : memref<512xi32, #tpu.memory_space<vmem>>, vector<16xi32>,
    %max3A_195 = arith.constant 0 : i32
    %max3A_196 = vector.broadcast %max3A_195 : i32 to vector<16xi32>
    %max3A_197 = arith.maxsi %get3A_194, %max3A_196 : vector<16xi32>
    %min3A_198 = arith.constant 999999 : i32
    %min3A_199 = vector.broadcast %min3A_198 : i32 to vector<16xi32>
    %min3A_200 = arith.minsi %max3A_197, %min3A_199 : vector<16xi32>
    %swap3A_201 = arith.constant 208 : index
    %swap3A_202 = tpu.vector_load %arg10[%swap3A_201] {strides = array<i32>} : memref<512xi32, #tpu.memory_space<vmem>>, vector<16xi32>,
    tpu.vector_store %arg10[%swap3A_201], %min3A_200 {strides = array<i32>} : memref<512xi32, #tpu.memory_space<vmem>>, vector<16xi32>,
    %shift_right_arithmetic3A_203 = arith.constant 2 : i32
    %shift_right_arithmetic3A_204 = vector.broadcast %shift_right_arithmetic3A_203 : i32 to vector<16xi32>
    %shift_right_arithmetic3A_205 = arith.shrsi %min3A_200, %shift_right_arithmetic3A_204 : vector<16xi32>
    %swap3A_206 = arith.constant 208 : index
    %swap3A_207 = tpu.vector_load %arg11[%swap3A_206] {strides = array<i32>} : memref<512xi32, #tpu.memory_space<vmem>>, vector<16xi32>,
    tpu.vector_store %arg11[%swap3A_206], %shift_right_arithmetic3A_205 {strides = array<i32>} : memref<512xi32, #tpu.memory_space<vmem>>, vector<16xi32>,
    %get3A_208 = arith.constant 224 : index
    %get3A_209 = tpu.vector_load %arg8[%get3A_208] {strides = array<i32>} : memref<512xi32, #tpu.memory_space<vmem>>, vector<16xi32>,
    %max3A_210 = arith.constant 0 : i32
    %max3A_211 = vector.broadcast %max3A_210 : i32 to vector<16xi32>
    %max3A_212 = arith.maxsi %get3A_209, %max3A_211 : vector<16xi32>
    %min3A_213 = arith.constant 999999 : i32
    %min3A_214 = vector.broadcast %min3A_213 : i32 to vector<16xi32>
    %min3A_215 = arith.minsi %max3A_212, %min3A_214 : vector<16xi32>
    %swap3A_216 = arith.constant 224 : index
    %swap3A_217 = tpu.vector_load %arg10[%swap3A_216] {strides = array<i32>} : memref<512xi32, #tpu.memory_space<vmem>>, vector<16xi32>,
    tpu.vector_store %arg10[%swap3A_216], %min3A_215 {strides = array<i32>} : memref<512xi32, #tpu.memory_space<vmem>>, vector<16xi32>,
    %shift_right_arithmetic3A_218 = arith.constant 2 : i32
    %shift_right_arithmetic3A_219 = vector.broadcast %shift_right_arithmetic3A_218 : i32 to vector<16xi32>
    %shift_right_arithmetic3A_220 = arith.shrsi %min3A_215, %shift_right_arithmetic3A_219 : vector<16xi32>
    %swap3A_221 = arith.constant 224 : index
    %swap3A_222 = tpu.vector_load %arg11[%swap3A_221] {strides = array<i32>} : memref<512xi32, #tpu.memory_space<vmem>>, vector<16xi32>,
    tpu.vector_store %arg11[%swap3A_221], %shift_right_arithmetic3A_220 {strides = array<i32>} : memref<512xi32, #tpu.memory_space<vmem>>, vector<16xi32>,
    %get3A_223 = arith.constant 240 : index
    %get3A_224 = tpu.vector_load %arg8[%get3A_223] {strides = array<i32>} : memref<512xi32, #tpu.memory_space<vmem>>, vector<16xi32>,
    %max3A_225 = arith.constant 0 : i32
    %max3A_226 = vector.broadcast %max3A_225 : i32 to vector<16xi32>
    %max3A_227 = arith.maxsi %get3A_224, %max3A_226 : vector<16xi32>
    %min3A_228 = arith.constant 999999 : i32
    %min3A_229 = vector.broadcast %min3A_228 : i32 to vector<16xi32>
    %min3A_230 = arith.minsi %max3A_227, %min3A_229 : vector<16xi32>
    %swap3A_231 = arith.constant 240 : index
    %swap3A_232 = tpu.vector_load %arg10[%swap3A_231] {strides = array<i32>} : memref<512xi32, #tpu.memory_space<vmem>>, vector<16xi32>,
    tpu.vector_store %arg10[%swap3A_231], %min3A_230 {strides = array<i32>} : memref<512xi32, #tpu.memory_space<vmem>>, vector<16xi32>,
    %shift_right_arithmetic3A_233 = arith.constant 2 : i32
    %shift_right_arithmetic3A_234 = vector.broadcast %shift_right_arithmetic3A_233 : i32 to vector<16xi32>
    %shift_right_arithmetic3A_235 = arith.shrsi %min3A_230, %shift_right_arithmetic3A_234 : vector<16xi32>
    %swap3A_236 = arith.constant 240 : index
    %swap3A_237 = tpu.vector_load %arg11[%swap3A_236] {strides = array<i32>} : memref<512xi32, #tpu.memory_space<vmem>>, vector<16xi32>,
    tpu.vector_store %arg11[%swap3A_236], %shift_right_arithmetic3A_235 {strides = array<i32>} : memref<512xi32, #tpu.memory_space<vmem>>, vector<16xi32>,
    %get3A_238 = arith.constant 256 : index
    %get3A_239 = tpu.vector_load %arg8[%get3A_238] {strides = array<i32>} : memref<512xi32, #tpu.memory_space<vmem>>, vector<16xi32>,
    %max3A_240 = arith.constant 0 : i32
    %max3A_241 = vector.broadcast %max3A_240 : i32 to vector<16xi32>
    %max3A_242 = arith.maxsi %get3A_239, %max3A_241 : vector<16xi32>
    %min3A_243 = arith.constant 999999 : i32
    %min3A_244 = vector.broadcast %min3A_243 : i32 to vector<16xi32>
    %min3A_245 = arith.minsi %max3A_242, %min3A_244 : vector<16xi32>
    %swap3A_246 = arith.constant 256 : index
    %swap3A_247 = tpu.vector_load %arg10[%swap3A_246] {strides = array<i32>} : memref<512xi32, #tpu.memory_space<vmem>>, vector<16xi32>,
    tpu.vector_store %arg10[%swap3A_246], %min3A_245 {strides = array<i32>} : memref<512xi32, #tpu.memory_space<vmem>>, vector<16xi32>,
    %shift_right_arithmetic3A_248 = arith.constant 2 : i32
    %shift_right_arithmetic3A_249 = vector.broadcast %shift_right_arithmetic3A_248 : i32 to vector<16xi32>
    %shift_right_arithmetic3A_250 = arith.shrsi %min3A_245, %shift_right_arithmetic3A_249 : vector<16xi32>
    %swap3A_251 = arith.constant 256 : index
    %swap3A_252 = tpu.vector_load %arg11[%swap3A_251] {strides = array<i32>} : memref<512xi32, #tpu.memory_space<vmem>>, vector<16xi32>,
    tpu.vector_store %arg11[%swap3A_251], %shift_right_arithmetic3A_250 {strides = array<i32>} : memref<512xi32, #tpu.memory_space<vmem>>, vector<16xi32>,
    %get3A_253 = arith.constant 272 : index
    %get3A_254 = tpu.vector_load %arg8[%get3A_253] {strides = array<i32>} : memref<512xi32, #tpu.memory_space<vmem>>, vector<16xi32>,
    %max3A_255 = arith.constant 0 : i32
    %max3A_256 = vector.broadcast %max3A_255 : i32 to vector<16xi32>
    %max3A_257 = arith.maxsi %get3A_254, %max3A_256 : vector<16xi32>
    %min3A_258 = arith.constant 999999 : i32
    %min3A_259 = vector.broadcast %min3A_258 : i32 to vector<16xi32>
    %min3A_260 = arith.minsi %max3A_257, %min3A_259 : vector<16xi32>
    %swap3A_261 = arith.constant 272 : index
    %swap3A_262 = tpu.vector_load %arg10[%swap3A_261] {strides = array<i32>} : memref<512xi32, #tpu.memory_space<vmem>>, vector<16xi32>,
    tpu.vector_store %arg10[%swap3A_261], %min3A_260 {strides = array<i32>} : memref<512xi32, #tpu.memory_space<vmem>>, vector<16xi32>,
    %shift_right_arithmetic3A_263 = arith.constant 2 : i32
    %shift_right_arithmetic3A_264 = vector.broadcast %shift_right_arithmetic3A_263 : i32 to vector<16xi32>
    %shift_right_arithmetic3A_265 = arith.shrsi %min3A_260, %shift_right_arithmetic3A_264 : vector<16xi32>
    %swap3A_266 = arith.constant 272 : index
    %swap3A_267 = tpu.vector_load %arg11[%swap3A_266] {strides = array<i32>} : memref<512xi32, #tpu.memory_space<vmem>>, vector<16xi32>,
    tpu.vector_store %arg11[%swap3A_266], %shift_right_arithmetic3A_265 {strides = array<i32>} : memref<512xi32, #tpu.memory_space<vmem>>, vector<16xi32>,
    %get3A_268 = arith.constant 288 : index
    %get3A_269 = tpu.vector_load %arg8[%get3A_268] {strides = array<i32>} : memref<512xi32, #tpu.memory_space<vmem>>, vector<16xi32>,
    %max3A_270 = arith.constant 0 : i32
    %max3A_271 = vector.broadcast %max3A_270 : i32 to vector<16xi32>
    %max3A_272 = arith.maxsi %get3A_269, %max3A_271 : vector<16xi32>
    %min3A_273 = arith.constant 999999 : i32
    %min3A_274 = vector.broadcast %min3A_273 : i32 to vector<16xi32>
    %min3A_275 = arith.minsi %max3A_272, %min3A_274 : vector<16xi32>
    %swap3A_276 = arith.constant 288 : index
    %swap3A_277 = tpu.vector_load %arg10[%swap3A_276] {strides = array<i32>} : memref<512xi32, #tpu.memory_space<vmem>>, vector<16xi32>,
    tpu.vector_store %arg10[%swap3A_276], %min3A_275 {strides = array<i32>} : memref<512xi32, #tpu.memory_space<vmem>>, vector<16xi32>,
    %shift_right_arithmetic3A_278 = arith.constant 2 : i32
    %shift_right_arithmetic3A_279 = vector.broadcast %shift_right_arithmetic3A_278 : i32 to vector<16xi32>
    %shift_right_arithmetic3A_280 = arith.shrsi %min3A_275, %shift_right_arithmetic3A_279 : vector<16xi32>
    %swap3A_281 = arith.constant 288 : index
    %swap3A_282 = tpu.vector_load %arg11[%swap3A_281] {strides = array<i32>} : memref<512xi32, #tpu.memory_space<vmem>>, vector<16xi32>,
    tpu.vector_store %arg11[%swap3A_281], %shift_right_arithmetic3A_280 {strides = array<i32>} : memref<512xi32, #tpu.memory_space<vmem>>, vector<16xi32>,
    %get3A_283 = arith.constant 304 : index
    %get3A_284 = tpu.vector_load %arg8[%get3A_283] {strides = array<i32>} : memref<512xi32, #tpu.memory_space<vmem>>, vector<16xi32>,
    %max3A_285 = arith.constant 0 : i32
    %max3A_286 = vector.broadcast %max3A_285 : i32 to vector<16xi32>
    %max3A_287 = arith.maxsi %get3A_284, %max3A_286 : vector<16xi32>
    %min3A_288 = arith.constant 999999 : i32
    %min3A_289 = vector.broadcast %min3A_288 : i32 to vector<16xi32>
    %min3A_290 = arith.minsi %max3A_287, %min3A_289 : vector<16xi32>
    %swap3A_291 = arith.constant 304 : index
    %swap3A_292 = tpu.vector_load %arg10[%swap3A_291] {strides = array<i32>} : memref<512xi32, #tpu.memory_space<vmem>>, vector<16xi32>,
    tpu.vector_store %arg10[%swap3A_291], %min3A_290 {strides = array<i32>} : memref<512xi32, #tpu.memory_space<vmem>>, vector<16xi32>,
    %shift_right_arithmetic3A_293 = arith.constant 2 : i32
    %shift_right_arithmetic3A_294 = vector.broadcast %shift_right_arithmetic3A_293 : i32 to vector<16xi32>
    %shift_right_arithmetic3A_295 = arith.shrsi %min3A_290, %shift_right_arithmetic3A_294 : vector<16xi32>
    %swap3A_296 = arith.constant 304 : index
    %swap3A_297 = tpu.vector_load %arg11[%swap3A_296] {strides = array<i32>} : memref<512xi32, #tpu.memory_space<vmem>>, vector<16xi32>,
    tpu.vector_store %arg11[%swap3A_296], %shift_right_arithmetic3A_295 {strides = array<i32>} : memref<512xi32, #tpu.memory_space<vmem>>, vector<16xi32>,
    %get3A_298 = arith.constant 320 : index
    %get3A_299 = tpu.vector_load %arg8[%get3A_298] {strides = array<i32>} : memref<512xi32, #tpu.memory_space<vmem>>, vector<16xi32>,
    %max3A_300 = arith.constant 0 : i32
    %max3A_301 = vector.broadcast %max3A_300 : i32 to vector<16xi32>
    %max3A_302 = arith.maxsi %get3A_299, %max3A_301 : vector<16xi32>
    %min3A_303 = arith.constant 999999 : i32
    %min3A_304 = vector.broadcast %min3A_303 : i32 to vector<16xi32>
    %min3A_305 = arith.minsi %max3A_302, %min3A_304 : vector<16xi32>
    %swap3A_306 = arith.constant 320 : index
    %swap3A_307 = tpu.vector_load %arg10[%swap3A_306] {strides = array<i32>} : memref<512xi32, #tpu.memory_space<vmem>>, vector<16xi32>,
    tpu.vector_store %arg10[%swap3A_306], %min3A_305 {strides = array<i32>} : memref<512xi32, #tpu.memory_space<vmem>>, vector<16xi32>,
    %shift_right_arithmetic3A_308 = arith.constant 2 : i32
    %shift_right_arithmetic3A_309 = vector.broadcast %shift_right_arithmetic3A_308 : i32 to vector<16xi32>
    %shift_right_arithmetic3A_310 = arith.shrsi %min3A_305, %shift_right_arithmetic3A_309 : vector<16xi32>
    %swap3A_311 = arith.constant 320 : index
    %swap3A_312 = tpu.vector_load %arg11[%swap3A_311] {strides = array<i32>} : memref<512xi32, #tpu.memory_space<vmem>>, vector<16xi32>,
    tpu.vector_store %arg11[%swap3A_311], %shift_right_arithmetic3A_310 {strides = array<i32>} : memref<512xi32, #tpu.memory_space<vmem>>, vector<16xi32>,
    %get3A_313 = arith.constant 336 : index
    %get3A_314 = tpu.vector_load %arg8[%get3A_313] {strides = array<i32>} : memref<512xi32, #tpu.memory_space<vmem>>, vector<16xi32>,
    %max3A_315 = arith.constant 0 : i32
    %max3A_316 = vector.broadcast %max3A_315 : i32 to vector<16xi32>
    %max3A_317 = arith.maxsi %get3A_314, %max3A_316 : vector<16xi32>
    %min3A_318 = arith.constant 999999 : i32
    %min3A_319 = vector.broadcast %min3A_318 : i32 to vector<16xi32>
    %min3A_320 = arith.minsi %max3A_317, %min3A_319 : vector<16xi32>
    %swap3A_321 = arith.constant 336 : index
    %swap3A_322 = tpu.vector_load %arg10[%swap3A_321] {strides = array<i32>} : memref<512xi32, #tpu.memory_space<vmem>>, vector<16xi32>,
    tpu.vector_store %arg10[%swap3A_321], %min3A_320 {strides = array<i32>} : memref<512xi32, #tpu.memory_space<vmem>>, vector<16xi32>,
    %shift_right_arithmetic3A_323 = arith.constant 2 : i32
    %shift_right_arithmetic3A_324 = vector.broadcast %shift_right_arithmetic3A_323 : i32 to vector<16xi32>
    %shift_right_arithmetic3A_325 = arith.shrsi %min3A_320, %shift_right_arithmetic3A_324 : vector<16xi32>
    %swap3A_326 = arith.constant 336 : index
    %swap3A_327 = tpu.vector_load %arg11[%swap3A_326] {strides = array<i32>} : memref<512xi32, #tpu.memory_space<vmem>>, vector<16xi32>,
    tpu.vector_store %arg11[%swap3A_326], %shift_right_arithmetic3A_325 {strides = array<i32>} : memref<512xi32, #tpu.memory_space<vmem>>, vector<16xi32>,
    %get3A_328 = arith.constant 352 : index
    %get3A_329 = tpu.vector_load %arg8[%get3A_328] {strides = array<i32>} : memref<512xi32, #tpu.memory_space<vmem>>, vector<16xi32>,
    %max3A_330 = arith.constant 0 : i32
    %max3A_331 = vector.broadcast %max3A_330 : i32 to vector<16xi32>
    %max3A_332 = arith.maxsi %get3A_329, %max3A_331 : vector<16xi32>
    %min3A_333 = arith.constant 999999 : i32
    %min3A_334 = vector.broadcast %min3A_333 : i32 to vector<16xi32>
    %min3A_335 = arith.minsi %max3A_332, %min3A_334 : vector<16xi32>
    %swap3A_336 = arith.constant 352 : index
    %swap3A_337 = tpu.vector_load %arg10[%swap3A_336] {strides = array<i32>} : memref<512xi32, #tpu.memory_space<vmem>>, vector<16xi32>,
    tpu.vector_store %arg10[%swap3A_336], %min3A_335 {strides = array<i32>} : memref<512xi32, #tpu.memory_space<vmem>>, vector<16xi32>,
    %shift_right_arithmetic3A_338 = arith.constant 2 : i32
    %shift_right_arithmetic3A_339 = vector.broadcast %shift_right_arithmetic3A_338 : i32 to vector<16xi32>
    %shift_right_arithmetic3A_340 = arith.shrsi %min3A_335, %shift_right_arithmetic3A_339 : vector<16xi32>
    %swap3A_341 = arith.constant 352 : index
    %swap3A_342 = tpu.vector_load %arg11[%swap3A_341] {strides = array<i32>} : memref<512xi32, #tpu.memory_space<vmem>>, vector<16xi32>,
    tpu.vector_store %arg11[%swap3A_341], %shift_right_arithmetic3A_340 {strides = array<i32>} : memref<512xi32, #tpu.memory_space<vmem>>, vector<16xi32>,
    %get3A_343 = arith.constant 368 : index
    %get3A_344 = tpu.vector_load %arg8[%get3A_343] {strides = array<i32>} : memref<512xi32, #tpu.memory_space<vmem>>, vector<16xi32>,
    %max3A_345 = arith.constant 0 : i32
    %max3A_346 = vector.broadcast %max3A_345 : i32 to vector<16xi32>
    %max3A_347 = arith.maxsi %get3A_344, %max3A_346 : vector<16xi32>
    %min3A_348 = arith.constant 999999 : i32
    %min3A_349 = vector.broadcast %min3A_348 : i32 to vector<16xi32>
    %min3A_350 = arith.minsi %max3A_347, %min3A_349 : vector<16xi32>
    %swap3A_351 = arith.constant 368 : index
    %swap3A_352 = tpu.vector_load %arg10[%swap3A_351] {strides = array<i32>} : memref<512xi32, #tpu.memory_space<vmem>>, vector<16xi32>,
    tpu.vector_store %arg10[%swap3A_351], %min3A_350 {strides = array<i32>} : memref<512xi32, #tpu.memory_space<vmem>>, vector<16xi32>,
    %shift_right_arithmetic3A_353 = arith.constant 2 : i32
    %shift_right_arithmetic3A_354 = vector.broadcast %shift_right_arithmetic3A_353 : i32 to vector<16xi32>
    %shift_right_arithmetic3A_355 = arith.shrsi %min3A_350, %shift_right_arithmetic3A_354 : vector<16xi32>
    %swap3A_356 = arith.constant 368 : index
    %swap3A_357 = tpu.vector_load %arg11[%swap3A_356] {strides = array<i32>} : memref<512xi32, #tpu.memory_space<vmem>>, vector<16xi32>,
    tpu.vector_store %arg11[%swap3A_356], %shift_right_arithmetic3A_355 {strides = array<i32>} : memref<512xi32, #tpu.memory_space<vmem>>, vector<16xi32>,
    %get3A_358 = arith.constant 384 : index
    %get3A_359 = tpu.vector_load %arg8[%get3A_358] {strides = array<i32>} : memref<512xi32, #tpu.memory_space<vmem>>, vector<16xi32>,
    %max3A_360 = arith.constant 0 : i32
    %max3A_361 = vector.broadcast %max3A_360 : i32 to vector<16xi32>
    %max3A_362 = arith.maxsi %get3A_359, %max3A_361 : vector<16xi32>
    %min3A_363 = arith.constant 999999 : i32
    %min3A_364 = vector.broadcast %min3A_363 : i32 to vector<16xi32>
    %min3A_365 = arith.minsi %max3A_362, %min3A_364 : vector<16xi32>
    %swap3A_366 = arith.constant 384 : index
    %swap3A_367 = tpu.vector_load %arg10[%swap3A_366] {strides = array<i32>} : memref<512xi32, #tpu.memory_space<vmem>>, vector<16xi32>,
    tpu.vector_store %arg10[%swap3A_366], %min3A_365 {strides = array<i32>} : memref<512xi32, #tpu.memory_space<vmem>>, vector<16xi32>,
    %shift_right_arithmetic3A_368 = arith.constant 2 : i32
    %shift_right_arithmetic3A_369 = vector.broadcast %shift_right_arithmetic3A_368 : i32 to vector<16xi32>
    %shift_right_arithmetic3A_370 = arith.shrsi %min3A_365, %shift_right_arithmetic3A_369 : vector<16xi32>
    %swap3A_371 = arith.constant 384 : index
    %swap3A_372 = tpu.vector_load %arg11[%swap3A_371] {strides = array<i32>} : memref<512xi32, #tpu.memory_space<vmem>>, vector<16xi32>,
    tpu.vector_store %arg11[%swap3A_371], %shift_right_arithmetic3A_370 {strides = array<i32>} : memref<512xi32, #tpu.memory_space<vmem>>, vector<16xi32>,
    %get3A_373 = arith.constant 400 : index
    %get3A_374 = tpu.vector_load %arg8[%get3A_373] {strides = array<i32>} : memref<512xi32, #tpu.memory_space<vmem>>, vector<16xi32>,
    %max3A_375 = arith.constant 0 : i32
    %max3A_376 = vector.broadcast %max3A_375 : i32 to vector<16xi32>
    %max3A_377 = arith.maxsi %get3A_374, %max3A_376 : vector<16xi32>
    %min3A_378 = arith.constant 999999 : i32
    %min3A_379 = vector.broadcast %min3A_378 : i32 to vector<16xi32>
    %min3A_380 = arith.minsi %max3A_377, %min3A_379 : vector<16xi32>
    %swap3A_381 = arith.constant 400 : index
    %swap3A_382 = tpu.vector_load %arg10[%swap3A_381] {strides = array<i32>} : memref<512xi32, #tpu.memory_space<vmem>>, vector<16xi32>,
    tpu.vector_store %arg10[%swap3A_381], %min3A_380 {strides = array<i32>} : memref<512xi32, #tpu.memory_space<vmem>>, vector<16xi32>,
    %shift_right_arithmetic3A_383 = arith.constant 2 : i32
    %shift_right_arithmetic3A_384 = vector.broadcast %shift_right_arithmetic3A_383 : i32 to vector<16xi32>
    %shift_right_arithmetic3A_385 = arith.shrsi %min3A_380, %shift_right_arithmetic3A_384 : vector<16xi32>
    %swap3A_386 = arith.constant 400 : index
    %swap3A_387 = tpu.vector_load %arg11[%swap3A_386] {strides = array<i32>} : memref<512xi32, #tpu.memory_space<vmem>>, vector<16xi32>,
    tpu.vector_store %arg11[%swap3A_386], %shift_right_arithmetic3A_385 {strides = array<i32>} : memref<512xi32, #tpu.memory_space<vmem>>, vector<16xi32>,
    %get3A_388 = arith.constant 416 : index
    %get3A_389 = tpu.vector_load %arg8[%get3A_388] {strides = array<i32>} : memref<512xi32, #tpu.memory_space<vmem>>, vector<16xi32>,
    %max3A_390 = arith.constant 0 : i32
    %max3A_391 = vector.broadcast %max3A_390 : i32 to vector<16xi32>
    %max3A_392 = arith.maxsi %get3A_389, %max3A_391 : vector<16xi32>
    %min3A_393 = arith.constant 999999 : i32
    %min3A_394 = vector.broadcast %min3A_393 : i32 to vector<16xi32>
    %min3A_395 = arith.minsi %max3A_392, %min3A_394 : vector<16xi32>
    %swap3A_396 = arith.constant 416 : index
    %swap3A_397 = tpu.vector_load %arg10[%swap3A_396] {strides = array<i32>} : memref<512xi32, #tpu.memory_space<vmem>>, vector<16xi32>,
    tpu.vector_store %arg10[%swap3A_396], %min3A_395 {strides = array<i32>} : memref<512xi32, #tpu.memory_space<vmem>>, vector<16xi32>,
    %shift_right_arithmetic3A_398 = arith.constant 2 : i32
    %shift_right_arithmetic3A_399 = vector.broadcast %shift_right_arithmetic3A_398 : i32 to vector<16xi32>
    %shift_right_arithmetic3A_400 = arith.shrsi %min3A_395, %shift_right_arithmetic3A_399 : vector<16xi32>
    %swap3A_401 = arith.constant 416 : index
    %swap3A_402 = tpu.vector_load %arg11[%swap3A_401] {strides = array<i32>} : memref<512xi32, #tpu.memory_space<vmem>>, vector<16xi32>,
    tpu.vector_store %arg11[%swap3A_401], %shift_right_arithmetic3A_400 {strides = array<i32>} : memref<512xi32, #tpu.memory_space<vmem>>, vector<16xi32>,
    %get3A_403 = arith.constant 432 : index
    %get3A_404 = tpu.vector_load %arg8[%get3A_403] {strides = array<i32>} : memref<512xi32, #tpu.memory_space<vmem>>, vector<16xi32>,
    %max3A_405 = arith.constant 0 : i32
    %max3A_406 = vector.broadcast %max3A_405 : i32 to vector<16xi32>
    %max3A_407 = arith.maxsi %get3A_404, %max3A_406 : vector<16xi32>
    %min3A_408 = arith.constant 999999 : i32
    %min3A_409 = vector.broadcast %min3A_408 : i32 to vector<16xi32>
    %min3A_410 = arith.minsi %max3A_407, %min3A_409 : vector<16xi32>
    %swap3A_411 = arith.constant 432 : index
    %swap3A_412 = tpu.vector_load %arg10[%swap3A_411] {strides = array<i32>} : memref<512xi32, #tpu.memory_space<vmem>>, vector<16xi32>,
    tpu.vector_store %arg10[%swap3A_411], %min3A_410 {strides = array<i32>} : memref<512xi32, #tpu.memory_space<vmem>>, vector<16xi32>,
    %shift_right_arithmetic3A_413 = arith.constant 2 : i32
    %shift_right_arithmetic3A_414 = vector.broadcast %shift_right_arithmetic3A_413 : i32 to vector<16xi32>
    %shift_right_arithmetic3A_415 = arith.shrsi %min3A_410, %shift_right_arithmetic3A_414 : vector<16xi32>
    %swap3A_416 = arith.constant 432 : index
    %swap3A_417 = tpu.vector_load %arg11[%swap3A_416] {strides = array<i32>} : memref<512xi32, #tpu.memory_space<vmem>>, vector<16xi32>,
    tpu.vector_store %arg11[%swap3A_416], %shift_right_arithmetic3A_415 {strides = array<i32>} : memref<512xi32, #tpu.memory_space<vmem>>, vector<16xi32>,
    %get3A_418 = arith.constant 448 : index
    %get3A_419 = tpu.vector_load %arg8[%get3A_418] {strides = array<i32>} : memref<512xi32, #tpu.memory_space<vmem>>, vector<16xi32>,
    %max3A_420 = arith.constant 0 : i32
    %max3A_421 = vector.broadcast %max3A_420 : i32 to vector<16xi32>
    %max3A_422 = arith.maxsi %get3A_419, %max3A_421 : vector<16xi32>
    %min3A_423 = arith.constant 999999 : i32
    %min3A_424 = vector.broadcast %min3A_423 : i32 to vector<16xi32>
    %min3A_425 = arith.minsi %max3A_422, %min3A_424 : vector<16xi32>
    %swap3A_426 = arith.constant 448 : index
    %swap3A_427 = tpu.vector_load %arg10[%swap3A_426] {strides = array<i32>} : memref<512xi32, #tpu.memory_space<vmem>>, vector<16xi32>,
    tpu.vector_store %arg10[%swap3A_426], %min3A_425 {strides = array<i32>} : memref<512xi32, #tpu.memory_space<vmem>>, vector<16xi32>,
    %shift_right_arithmetic3A_428 = arith.constant 2 : i32
    %shift_right_arithmetic3A_429 = vector.broadcast %shift_right_arithmetic3A_428 : i32 to vector<16xi32>
    %shift_right_arithmetic3A_430 = arith.shrsi %min3A_425, %shift_right_arithmetic3A_429 : vector<16xi32>
    %swap3A_431 = arith.constant 448 : index
    %swap3A_432 = tpu.vector_load %arg11[%swap3A_431] {strides = array<i32>} : memref<512xi32, #tpu.memory_space<vmem>>, vector<16xi32>,
    tpu.vector_store %arg11[%swap3A_431], %shift_right_arithmetic3A_430 {strides = array<i32>} : memref<512xi32, #tpu.memory_space<vmem>>, vector<16xi32>,
    %get3A_433 = arith.constant 464 : index
    %get3A_434 = tpu.vector_load %arg8[%get3A_433] {strides = array<i32>} : memref<512xi32, #tpu.memory_space<vmem>>, vector<16xi32>,
    %max3A_435 = arith.constant 0 : i32
    %max3A_436 = vector.broadcast %max3A_435 : i32 to vector<16xi32>
    %max3A_437 = arith.maxsi %get3A_434, %max3A_436 : vector<16xi32>
    %min3A_438 = arith.constant 999999 : i32
    %min3A_439 = vector.broadcast %min3A_438 : i32 to vector<16xi32>
    %min3A_440 = arith.minsi %max3A_437, %min3A_439 : vector<16xi32>
    %swap3A_441 = arith.constant 464 : index
    %swap3A_442 = tpu.vector_load %arg10[%swap3A_441] {strides = array<i32>} : memref<512xi32, #tpu.memory_space<vmem>>, vector<16xi32>,
    tpu.vector_store %arg10[%swap3A_441], %min3A_440 {strides = array<i32>} : memref<512xi32, #tpu.memory_space<vmem>>, vector<16xi32>,
    %shift_right_arithmetic3A_443 = arith.constant 2 : i32
    %shift_right_arithmetic3A_444 = vector.broadcast %shift_right_arithmetic3A_443 : i32 to vector<16xi32>
    %shift_right_arithmetic3A_445 = arith.shrsi %min3A_440, %shift_right_arithmetic3A_444 : vector<16xi32>
    %swap3A_446 = arith.constant 464 : index
    %swap3A_447 = tpu.vector_load %arg11[%swap3A_446] {strides = array<i32>} : memref<512xi32, #tpu.memory_space<vmem>>, vector<16xi32>,
    tpu.vector_store %arg11[%swap3A_446], %shift_right_arithmetic3A_445 {strides = array<i32>} : memref<512xi32, #tpu.memory_space<vmem>>, vector<16xi32>,
    %get3A_448 = arith.constant 480 : index
    %get3A_449 = tpu.vector_load %arg8[%get3A_448] {strides = array<i32>} : memref<512xi32, #tpu.memory_space<vmem>>, vector<16xi32>,
    %max3A_450 = arith.constant 0 : i32
    %max3A_451 = vector.broadcast %max3A_450 : i32 to vector<16xi32>
    %max3A_452 = arith.maxsi %get3A_449, %max3A_451 : vector<16xi32>
    %min3A_453 = arith.constant 999999 : i32
    %min3A_454 = vector.broadcast %min3A_453 : i32 to vector<16xi32>
    %min3A_455 = arith.minsi %max3A_452, %min3A_454 : vector<16xi32>
    %swap3A_456 = arith.constant 480 : index
    %swap3A_457 = tpu.vector_load %arg10[%swap3A_456] {strides = array<i32>} : memref<512xi32, #tpu.memory_space<vmem>>, vector<16xi32>,
    tpu.vector_store %arg10[%swap3A_456], %min3A_455 {strides = array<i32>} : memref<512xi32, #tpu.memory_space<vmem>>, vector<16xi32>,
    %shift_right_arithmetic3A_458 = arith.constant 2 : i32
    %shift_right_arithmetic3A_459 = vector.broadcast %shift_right_arithmetic3A_458 : i32 to vector<16xi32>
    %shift_right_arithmetic3A_460 = arith.shrsi %min3A_455, %shift_right_arithmetic3A_459 : vector<16xi32>
    %swap3A_461 = arith.constant 480 : index
    %swap3A_462 = tpu.vector_load %arg11[%swap3A_461] {strides = array<i32>} : memref<512xi32, #tpu.memory_space<vmem>>, vector<16xi32>,
    tpu.vector_store %arg11[%swap3A_461], %shift_right_arithmetic3A_460 {strides = array<i32>} : memref<512xi32, #tpu.memory_space<vmem>>, vector<16xi32>,
    %get3A_463 = arith.constant 496 : index
    %get3A_464 = tpu.vector_load %arg8[%get3A_463] {strides = array<i32>} : memref<512xi32, #tpu.memory_space<vmem>>, vector<16xi32>,
    %max3A_465 = arith.constant 0 : i32
    %max3A_466 = vector.broadcast %max3A_465 : i32 to vector<16xi32>
    %max3A_467 = arith.maxsi %get3A_464, %max3A_466 : vector<16xi32>
    %min3A_468 = arith.constant 999999 : i32
    %min3A_469 = vector.broadcast %min3A_468 : i32 to vector<16xi32>
    %min3A_470 = arith.minsi %max3A_467, %min3A_469 : vector<16xi32>
    %swap3A_471 = arith.constant 496 : index
    %swap3A_472 = tpu.vector_load %arg10[%swap3A_471] {strides = array<i32>} : memref<512xi32, #tpu.memory_space<vmem>>, vector<16xi32>,
    tpu.vector_store %arg10[%swap3A_471], %min3A_470 {strides = array<i32>} : memref<512xi32, #tpu.memory_space<vmem>>, vector<16xi32>,
    %shift_right_arithmetic3A_473 = arith.constant 2 : i32
    %shift_right_arithmetic3A_474 = vector.broadcast %shift_right_arithmetic3A_473 : i32 to vector<16xi32>
    %shift_right_arithmetic3A_475 = arith.shrsi %min3A_470, %shift_right_arithmetic3A_474 : vector<16xi32>
    %swap3A_476 = arith.constant 496 : index
    %swap3A_477 = tpu.vector_load %arg11[%swap3A_476] {strides = array<i32>} : memref<512xi32, #tpu.memory_space<vmem>>, vector<16xi32>,
    tpu.vector_store %arg11[%swap3A_476], %shift_right_arithmetic3A_475 {strides = array<i32>} : memref<512xi32, #tpu.memory_space<vmem>>, vector<16xi32>,
    %dma_start3A = arith.constant 0 : i32
    %dma_start3A_478 = arith.constant 0 : i32
    %dma_start3A_479 = tpu.memref_slice %arg13[%dma_start3A, %dma_start3A_478] : memref<512x64xf32, #tpu.memory_space<vmem>> -> memref<128x64xf32, #tpu.memory_space<vmem>>
    %dma_start3A_480 = arith.constant 0 : i32
    %dma_start3A_481 = tpu.memref_slice %arg9[%dma_start3A_480] : memref<512xi32, #tpu.memory_space<vmem>> -> memref<128xi32, #tpu.memory_space<vmem>>
    %dma_start3A_482 = arith.constant 0 : i32
    %dma_start3A_483 = arith.constant 0 : i32
    %dma_start3A_484 = tpu.memref_slice %arg3[%dma_start3A_482, %dma_start3A_483] : memref<4x64xf32, #tpu.memory_space<hbm>> -> memref<4x64xf32, #tpu.memory_space<hbm>>
    tpu.enqueue_indirect_dma source(%dma_start3A_484 : memref<4x64xf32, #tpu.memory_space<hbm>>) target(%dma_start3A_479 : memref<128x64xf32, #tpu.memory_space<vmem>>) offsets(%dma_start3A_481 : memref<128xi32, #tpu.memory_space<vmem>>) semaphore(%arg15 : memref<!tpu.dma_semaphore, #tpu.memory_space<semaphore_mem>>)
    %dma_start3A_485 = arith.constant 0 : i32
    %dma_start3A_486 = tpu.memref_slice %arg12[%dma_start3A_485] : memref<512xi32, #tpu.memory_space<vmem>> -> memref<128xi32, #tpu.memory_space<vmem>>
    %dma_start3A_487 = arith.constant 0 : i32
    %dma_start3A_488 = tpu.memref_slice %arg11[%dma_start3A_487] : memref<512xi32, #tpu.memory_space<vmem>> -> memref<128xi32, #tpu.memory_space<vmem>>
    %dma_start3A_489 = arith.constant 0 : i32
    %dma_start3A_490 = tpu.memref_slice %arg6[%dma_start3A_489] : memref<250000xi32, #tpu.memory_space<hbm>> -> memref<250000xi32, #tpu.memory_space<hbm>>
    tpu.enqueue_indirect_dma source(%dma_start3A_490 : memref<250000xi32, #tpu.memory_space<hbm>>) target(%dma_start3A_486 : memref<128xi32, #tpu.memory_space<vmem>>) offsets(%dma_start3A_488 : memref<128xi32, #tpu.memory_space<vmem>>) semaphore(%arg16 : memref<!tpu.dma_semaphore, #tpu.memory_space<semaphore_mem>>)
    %dma_start3A_491 = arith.constant 0 : i32
    %dma_start3A_492 = arith.constant 0 : i32
    %dma_start3A_493 = tpu.memref_slice %arg14[%dma_start3A_491, %dma_start3A_492] : memref<512x64xf32, #tpu.memory_space<vmem>> -> memref<128x64xf32, #tpu.memory_space<vmem>>
    %dma_start3A_494 = arith.constant 0 : i32
    %dma_start3A_495 = tpu.memref_slice %arg10[%dma_start3A_494] : memref<512xi32, #tpu.memory_space<vmem>> -> memref<128xi32, #tpu.memory_space<vmem>>
    %dma_start3A_496 = arith.constant 0 : i32
    %dma_start3A_497 = arith.constant 0 : i32
    %dma_start3A_498 = tpu.memref_slice %arg2[%dma_start3A_496, %dma_start3A_497] : memref<1000000x64xf32, #tpu.memory_space<hbm>> -> memref<1000000x64xf32, #tpu.memory_space<hbm>>
    tpu.enqueue_indirect_dma source(%dma_start3A_498 : memref<1000000x64xf32, #tpu.memory_space<hbm>>) target(%dma_start3A_493 : memref<128x64xf32, #tpu.memory_space<vmem>>) offsets(%dma_start3A_495 : memref<128xi32, #tpu.memory_space<vmem>>) semaphore(%arg17 : memref<!tpu.dma_semaphore, #tpu.memory_space<semaphore_mem>>)
    %dma_start3A_499 = arith.constant 128 : i32
    %dma_start3A_500 = arith.constant 0 : i32
    %dma_start3A_501 = tpu.memref_slice %arg13[%dma_start3A_499, %dma_start3A_500] : memref<512x64xf32, #tpu.memory_space<vmem>> -> memref<128x64xf32, #tpu.memory_space<vmem>>
    %dma_start3A_502 = arith.constant 128 : i32
    %dma_start3A_503 = tpu.memref_slice %arg9[%dma_start3A_502] : memref<512xi32, #tpu.memory_space<vmem>> -> memref<128xi32, #tpu.memory_space<vmem>>
    %dma_start3A_504 = arith.constant 0 : i32
    %dma_start3A_505 = arith.constant 0 : i32
    %dma_start3A_506 = tpu.memref_slice %arg3[%dma_start3A_504, %dma_start3A_505] : memref<4x64xf32, #tpu.memory_space<hbm>> -> memref<4x64xf32, #tpu.memory_space<hbm>>
    tpu.enqueue_indirect_dma source(%dma_start3A_506 : memref<4x64xf32, #tpu.memory_space<hbm>>) target(%dma_start3A_501 : memref<128x64xf32, #tpu.memory_space<vmem>>) offsets(%dma_start3A_503 : memref<128xi32, #tpu.memory_space<vmem>>) semaphore(%arg15 : memref<!tpu.dma_semaphore, #tpu.memory_space<semaphore_mem>>)
    %dma_start3A_507 = arith.constant 128 : i32
    %dma_start3A_508 = tpu.memref_slice %arg12[%dma_start3A_507] : memref<512xi32, #tpu.memory_space<vmem>> -> memref<128xi32, #tpu.memory_space<vmem>>
    %dma_start3A_509 = arith.constant 128 : i32
    %dma_start3A_510 = tpu.memref_slice %arg11[%dma_start3A_509] : memref<512xi32, #tpu.memory_space<vmem>> -> memref<128xi32, #tpu.memory_space<vmem>>
    %dma_start3A_511 = arith.constant 0 : i32
    %dma_start3A_512 = tpu.memref_slice %arg6[%dma_start3A_511] : memref<250000xi32, #tpu.memory_space<hbm>> -> memref<250000xi32, #tpu.memory_space<hbm>>
    tpu.enqueue_indirect_dma source(%dma_start3A_512 : memref<250000xi32, #tpu.memory_space<hbm>>) target(%dma_start3A_508 : memref<128xi32, #tpu.memory_space<vmem>>) offsets(%dma_start3A_510 : memref<128xi32, #tpu.memory_space<vmem>>) semaphore(%arg16 : memref<!tpu.dma_semaphore, #tpu.memory_space<semaphore_mem>>)
    %dma_start3A_513 = arith.constant 128 : i32
    %dma_start3A_514 = arith.constant 0 : i32
    %dma_start3A_515 = tpu.memref_slice %arg14[%dma_start3A_513, %dma_start3A_514] : memref<512x64xf32, #tpu.memory_space<vmem>> -> memref<128x64xf32, #tpu.memory_space<vmem>>
    %dma_start3A_516 = arith.constant 128 : i32
    %dma_start3A_517 = tpu.memref_slice %arg10[%dma_start3A_516] : memref<512xi32, #tpu.memory_space<vmem>> -> memref<128xi32, #tpu.memory_space<vmem>>
    %dma_start3A_518 = arith.constant 0 : i32
    %dma_start3A_519 = arith.constant 0 : i32
    %dma_start3A_520 = tpu.memref_slice %arg2[%dma_start3A_518, %dma_start3A_519] : memref<1000000x64xf32, #tpu.memory_space<hbm>> -> memref<1000000x64xf32, #tpu.memory_space<hbm>>
    tpu.enqueue_indirect_dma source(%dma_start3A_520 : memref<1000000x64xf32, #tpu.memory_space<hbm>>) target(%dma_start3A_515 : memref<128x64xf32, #tpu.memory_space<vmem>>) offsets(%dma_start3A_517 : memref<128xi32, #tpu.memory_space<vmem>>) semaphore(%arg17 : memref<!tpu.dma_semaphore, #tpu.memory_space<semaphore_mem>>)
    %dma_start3A_521 = arith.constant 256 : i32
    %dma_start3A_522 = arith.constant 0 : i32
    %dma_start3A_523 = tpu.memref_slice %arg13[%dma_start3A_521, %dma_start3A_522] : memref<512x64xf32, #tpu.memory_space<vmem>> -> memref<128x64xf32, #tpu.memory_space<vmem>>
    %dma_start3A_524 = arith.constant 256 : i32
    %dma_start3A_525 = tpu.memref_slice %arg9[%dma_start3A_524] : memref<512xi32, #tpu.memory_space<vmem>> -> memref<128xi32, #tpu.memory_space<vmem>>
    %dma_start3A_526 = arith.constant 0 : i32
    %dma_start3A_527 = arith.constant 0 : i32
    %dma_start3A_528 = tpu.memref_slice %arg3[%dma_start3A_526, %dma_start3A_527] : memref<4x64xf32, #tpu.memory_space<hbm>> -> memref<4x64xf32, #tpu.memory_space<hbm>>
    tpu.enqueue_indirect_dma source(%dma_start3A_528 : memref<4x64xf32, #tpu.memory_space<hbm>>) target(%dma_start3A_523 : memref<128x64xf32, #tpu.memory_space<vmem>>) offsets(%dma_start3A_525 : memref<128xi32, #tpu.memory_space<vmem>>) semaphore(%arg15 : memref<!tpu.dma_semaphore, #tpu.memory_space<semaphore_mem>>)
    %dma_start3A_529 = arith.constant 256 : i32
    %dma_start3A_530 = tpu.memref_slice %arg12[%dma_start3A_529] : memref<512xi32, #tpu.memory_space<vmem>> -> memref<128xi32, #tpu.memory_space<vmem>>
    %dma_start3A_531 = arith.constant 256 : i32
    %dma_start3A_532 = tpu.memref_slice %arg11[%dma_start3A_531] : memref<512xi32, #tpu.memory_space<vmem>> -> memref<128xi32, #tpu.memory_space<vmem>>
    %dma_start3A_533 = arith.constant 0 : i32
    %dma_start3A_534 = tpu.memref_slice %arg6[%dma_start3A_533] : memref<250000xi32, #tpu.memory_space<hbm>> -> memref<250000xi32, #tpu.memory_space<hbm>>
    tpu.enqueue_indirect_dma source(%dma_start3A_534 : memref<250000xi32, #tpu.memory_space<hbm>>) target(%dma_start3A_530 : memref<128xi32, #tpu.memory_space<vmem>>) offsets(%dma_start3A_532 : memref<128xi32, #tpu.memory_space<vmem>>) semaphore(%arg16 : memref<!tpu.dma_semaphore, #tpu.memory_space<semaphore_mem>>)
    %dma_start3A_535 = arith.constant 256 : i32
    %dma_start3A_536 = arith.constant 0 : i32
    %dma_start3A_537 = tpu.memref_slice %arg14[%dma_start3A_535, %dma_start3A_536] : memref<512x64xf32, #tpu.memory_space<vmem>> -> memref<128x64xf32, #tpu.memory_space<vmem>>
    %dma_start3A_538 = arith.constant 256 : i32
    %dma_start3A_539 = tpu.memref_slice %arg10[%dma_start3A_538] : memref<512xi32, #tpu.memory_space<vmem>> -> memref<128xi32, #tpu.memory_space<vmem>>
    %dma_start3A_540 = arith.constant 0 : i32
    %dma_start3A_541 = arith.constant 0 : i32
    %dma_start3A_542 = tpu.memref_slice %arg2[%dma_start3A_540, %dma_start3A_541] : memref<1000000x64xf32, #tpu.memory_space<hbm>> -> memref<1000000x64xf32, #tpu.memory_space<hbm>>
    tpu.enqueue_indirect_dma source(%dma_start3A_542 : memref<1000000x64xf32, #tpu.memory_space<hbm>>) target(%dma_start3A_537 : memref<128x64xf32, #tpu.memory_space<vmem>>) offsets(%dma_start3A_539 : memref<128xi32, #tpu.memory_space<vmem>>) semaphore(%arg17 : memref<!tpu.dma_semaphore, #tpu.memory_space<semaphore_mem>>)
    %dma_start3A_543 = arith.constant 384 : i32
    %dma_start3A_544 = arith.constant 0 : i32
    %dma_start3A_545 = tpu.memref_slice %arg13[%dma_start3A_543, %dma_start3A_544] : memref<512x64xf32, #tpu.memory_space<vmem>> -> memref<128x64xf32, #tpu.memory_space<vmem>>
    %dma_start3A_546 = arith.constant 384 : i32
    %dma_start3A_547 = tpu.memref_slice %arg9[%dma_start3A_546] : memref<512xi32, #tpu.memory_space<vmem>> -> memref<128xi32, #tpu.memory_space<vmem>>
    %dma_start3A_548 = arith.constant 0 : i32
    %dma_start3A_549 = arith.constant 0 : i32
    %dma_start3A_550 = tpu.memref_slice %arg3[%dma_start3A_548, %dma_start3A_549] : memref<4x64xf32, #tpu.memory_space<hbm>> -> memref<4x64xf32, #tpu.memory_space<hbm>>
    tpu.enqueue_indirect_dma source(%dma_start3A_550 : memref<4x64xf32, #tpu.memory_space<hbm>>) target(%dma_start3A_545 : memref<128x64xf32, #tpu.memory_space<vmem>>) offsets(%dma_start3A_547 : memref<128xi32, #tpu.memory_space<vmem>>) semaphore(%arg15 : memref<!tpu.dma_semaphore, #tpu.memory_space<semaphore_mem>>)
    %dma_start3A_551 = arith.constant 384 : i32
    %dma_start3A_552 = tpu.memref_slice %arg12[%dma_start3A_551] : memref<512xi32, #tpu.memory_space<vmem>> -> memref<128xi32, #tpu.memory_space<vmem>>
    %dma_start3A_553 = arith.constant 384 : i32
    %dma_start3A_554 = tpu.memref_slice %arg11[%dma_start3A_553] : memref<512xi32, #tpu.memory_space<vmem>> -> memref<128xi32, #tpu.memory_space<vmem>>
    %dma_start3A_555 = arith.constant 0 : i32
    %dma_start3A_556 = tpu.memref_slice %arg6[%dma_start3A_555] : memref<250000xi32, #tpu.memory_space<hbm>> -> memref<250000xi32, #tpu.memory_space<hbm>>
    tpu.enqueue_indirect_dma source(%dma_start3A_556 : memref<250000xi32, #tpu.memory_space<hbm>>) target(%dma_start3A_552 : memref<128xi32, #tpu.memory_space<vmem>>) offsets(%dma_start3A_554 : memref<128xi32, #tpu.memory_space<vmem>>) semaphore(%arg16 : memref<!tpu.dma_semaphore, #tpu.memory_space<semaphore_mem>>)
    %dma_start3A_557 = arith.constant 384 : i32
    %dma_start3A_558 = arith.constant 0 : i32
    %dma_start3A_559 = tpu.memref_slice %arg14[%dma_start3A_557, %dma_start3A_558] : memref<512x64xf32, #tpu.memory_space<vmem>> -> memref<128x64xf32, #tpu.memory_space<vmem>>
    %dma_start3A_560 = arith.constant 384 : i32
    %dma_start3A_561 = tpu.memref_slice %arg10[%dma_start3A_560] : memref<512xi32, #tpu.memory_space<vmem>> -> memref<128xi32, #tpu.memory_space<vmem>>
    %dma_start3A_562 = arith.constant 0 : i32
    %dma_start3A_563 = arith.constant 0 : i32
    %dma_start3A_564 = tpu.memref_slice %arg2[%dma_start3A_562, %dma_start3A_563] : memref<1000000x64xf32, #tpu.memory_space<hbm>> -> memref<1000000x64xf32, #tpu.memory_space<hbm>>
    tpu.enqueue_indirect_dma source(%dma_start3A_564 : memref<1000000x64xf32, #tpu.memory_space<hbm>>) target(%dma_start3A_559 : memref<128x64xf32, #tpu.memory_space<vmem>>) offsets(%dma_start3A_561 : memref<128xi32, #tpu.memory_space<vmem>>) semaphore(%arg17 : memref<!tpu.dma_semaphore, #tpu.memory_space<semaphore_mem>>)
    %dma_wait3A = arith.constant 0 : i32
    %dma_wait3A_565 = arith.constant 0 : i32
    %dma_wait3A_566 = tpu.memref_slice %arg13[%dma_wait3A, %dma_wait3A_565] : memref<512x64xf32, #tpu.memory_space<vmem>> -> memref<128x64xf32, #tpu.memory_space<vmem>>
    %dma_wait3A_567 = arith.constant 0 : i32
    %dma_wait3A_568 = tpu.memref_slice %arg9[%dma_wait3A_567] : memref<512xi32, #tpu.memory_space<vmem>> -> memref<128xi32, #tpu.memory_space<vmem>>
    %dma_wait3A_569 = arith.constant 0 : i32
    %dma_wait3A_570 = arith.constant 0 : i32
    %dma_wait3A_571 = tpu.memref_slice %arg3[%dma_wait3A_569, %dma_wait3A_570] : memref<4x64xf32, #tpu.memory_space<hbm>> -> memref<4x64xf32, #tpu.memory_space<hbm>>
    tpu.wait_indirect_dma semaphore(%arg15 : memref<!tpu.dma_semaphore, #tpu.memory_space<semaphore_mem>>) src(%dma_wait3A_571 : memref<4x64xf32, #tpu.memory_space<hbm>>) dst(%dma_wait3A_566 : memref<128x64xf32, #tpu.memory_space<vmem>>)
    %dma_wait3A_572 = arith.constant 0 : i32
    %dma_wait3A_573 = tpu.memref_slice %arg12[%dma_wait3A_572] : memref<512xi32, #tpu.memory_space<vmem>> -> memref<128xi32, #tpu.memory_space<vmem>>
    %dma_wait3A_574 = arith.constant 0 : i32
    %dma_wait3A_575 = tpu.memref_slice %arg11[%dma_wait3A_574] : memref<512xi32, #tpu.memory_space<vmem>> -> memref<128xi32, #tpu.memory_space<vmem>>
    %dma_wait3A_576 = arith.constant 0 : i32
    %dma_wait3A_577 = tpu.memref_slice %arg6[%dma_wait3A_576] : memref<250000xi32, #tpu.memory_space<hbm>> -> memref<250000xi32, #tpu.memory_space<hbm>>
    tpu.wait_indirect_dma semaphore(%arg16 : memref<!tpu.dma_semaphore, #tpu.memory_space<semaphore_mem>>) src(%dma_wait3A_577 : memref<250000xi32, #tpu.memory_space<hbm>>) dst(%dma_wait3A_573 : memref<128xi32, #tpu.memory_space<vmem>>)
    %dma_wait3A_578 = arith.constant 0 : i32
    %dma_wait3A_579 = arith.constant 0 : i32
    %dma_wait3A_580 = tpu.memref_slice %arg14[%dma_wait3A_578, %dma_wait3A_579] : memref<512x64xf32, #tpu.memory_space<vmem>> -> memref<128x64xf32, #tpu.memory_space<vmem>>
    %dma_wait3A_581 = arith.constant 0 : i32
    %dma_wait3A_582 = tpu.memref_slice %arg10[%dma_wait3A_581] : memref<512xi32, #tpu.memory_space<vmem>> -> memref<128xi32, #tpu.memory_space<vmem>>
    %dma_wait3A_583 = arith.constant 0 : i32
    %dma_wait3A_584 = arith.constant 0 : i32
    %dma_wait3A_585 = tpu.memref_slice %arg2[%dma_wait3A_583, %dma_wait3A_584] : memref<1000000x64xf32, #tpu.memory_space<hbm>> -> memref<1000000x64xf32, #tpu.memory_space<hbm>>
    tpu.wait_indirect_dma semaphore(%arg17 : memref<!tpu.dma_semaphore, #tpu.memory_space<semaphore_mem>>) src(%dma_wait3A_585 : memref<1000000x64xf32, #tpu.memory_space<hbm>>) dst(%dma_wait3A_580 : memref<128x64xf32, #tpu.memory_space<vmem>>)
    %dma_wait3A_586 = arith.constant 128 : i32
    %dma_wait3A_587 = arith.constant 0 : i32
    %dma_wait3A_588 = tpu.memref_slice %arg13[%dma_wait3A_586, %dma_wait3A_587] : memref<512x64xf32, #tpu.memory_space<vmem>> -> memref<128x64xf32, #tpu.memory_space<vmem>>
    %dma_wait3A_589 = arith.constant 128 : i32
    %dma_wait3A_590 = tpu.memref_slice %arg9[%dma_wait3A_589] : memref<512xi32, #tpu.memory_space<vmem>> -> memref<128xi32, #tpu.memory_space<vmem>>
    %dma_wait3A_591 = arith.constant 0 : i32
    %dma_wait3A_592 = arith.constant 0 : i32
    %dma_wait3A_593 = tpu.memref_slice %arg3[%dma_wait3A_591, %dma_wait3A_592] : memref<4x64xf32, #tpu.memory_space<hbm>> -> memref<4x64xf32, #tpu.memory_space<hbm>>
    tpu.wait_indirect_dma semaphore(%arg15 : memref<!tpu.dma_semaphore, #tpu.memory_space<semaphore_mem>>) src(%dma_wait3A_593 : memref<4x64xf32, #tpu.memory_space<hbm>>) dst(%dma_wait3A_588 : memref<128x64xf32, #tpu.memory_space<vmem>>)
    %dma_wait3A_594 = arith.constant 128 : i32
    %dma_wait3A_595 = tpu.memref_slice %arg12[%dma_wait3A_594] : memref<512xi32, #tpu.memory_space<vmem>> -> memref<128xi32, #tpu.memory_space<vmem>>
    %dma_wait3A_596 = arith.constant 128 : i32
    %dma_wait3A_597 = tpu.memref_slice %arg11[%dma_wait3A_596] : memref<512xi32, #tpu.memory_space<vmem>> -> memref<128xi32, #tpu.memory_space<vmem>>
    %dma_wait3A_598 = arith.constant 0 : i32
    %dma_wait3A_599 = tpu.memref_slice %arg6[%dma_wait3A_598] : memref<250000xi32, #tpu.memory_space<hbm>> -> memref<250000xi32, #tpu.memory_space<hbm>>
    tpu.wait_indirect_dma semaphore(%arg16 : memref<!tpu.dma_semaphore, #tpu.memory_space<semaphore_mem>>) src(%dma_wait3A_599 : memref<250000xi32, #tpu.memory_space<hbm>>) dst(%dma_wait3A_595 : memref<128xi32, #tpu.memory_space<vmem>>)
    %dma_wait3A_600 = arith.constant 128 : i32
    %dma_wait3A_601 = arith.constant 0 : i32
    %dma_wait3A_602 = tpu.memref_slice %arg14[%dma_wait3A_600, %dma_wait3A_601] : memref<512x64xf32, #tpu.memory_space<vmem>> -> memref<128x64xf32, #tpu.memory_space<vmem>>
    %dma_wait3A_603 = arith.constant 128 : i32
    %dma_wait3A_604 = tpu.memref_slice %arg10[%dma_wait3A_603] : memref<512xi32, #tpu.memory_space<vmem>> -> memref<128xi32, #tpu.memory_space<vmem>>
    %dma_wait3A_605 = arith.constant 0 : i32
    %dma_wait3A_606 = arith.constant 0 : i32
    %dma_wait3A_607 = tpu.memref_slice %arg2[%dma_wait3A_605, %dma_wait3A_606] : memref<1000000x64xf32, #tpu.memory_space<hbm>> -> memref<1000000x64xf32, #tpu.memory_space<hbm>>
    tpu.wait_indirect_dma semaphore(%arg17 : memref<!tpu.dma_semaphore, #tpu.memory_space<semaphore_mem>>) src(%dma_wait3A_607 : memref<1000000x64xf32, #tpu.memory_space<hbm>>) dst(%dma_wait3A_602 : memref<128x64xf32, #tpu.memory_space<vmem>>)
    %dma_wait3A_608 = arith.constant 256 : i32
    %dma_wait3A_609 = arith.constant 0 : i32
    %dma_wait3A_610 = tpu.memref_slice %arg13[%dma_wait3A_608, %dma_wait3A_609] : memref<512x64xf32, #tpu.memory_space<vmem>> -> memref<128x64xf32, #tpu.memory_space<vmem>>
    %dma_wait3A_611 = arith.constant 256 : i32
    %dma_wait3A_612 = tpu.memref_slice %arg9[%dma_wait3A_611] : memref<512xi32, #tpu.memory_space<vmem>> -> memref<128xi32, #tpu.memory_space<vmem>>
    %dma_wait3A_613 = arith.constant 0 : i32
    %dma_wait3A_614 = arith.constant 0 : i32
    %dma_wait3A_615 = tpu.memref_slice %arg3[%dma_wait3A_613, %dma_wait3A_614] : memref<4x64xf32, #tpu.memory_space<hbm>> -> memref<4x64xf32, #tpu.memory_space<hbm>>
    tpu.wait_indirect_dma semaphore(%arg15 : memref<!tpu.dma_semaphore, #tpu.memory_space<semaphore_mem>>) src(%dma_wait3A_615 : memref<4x64xf32, #tpu.memory_space<hbm>>) dst(%dma_wait3A_610 : memref<128x64xf32, #tpu.memory_space<vmem>>)
    %dma_wait3A_616 = arith.constant 256 : i32
    %dma_wait3A_617 = tpu.memref_slice %arg12[%dma_wait3A_616] : memref<512xi32, #tpu.memory_space<vmem>> -> memref<128xi32, #tpu.memory_space<vmem>>
    %dma_wait3A_618 = arith.constant 256 : i32
    %dma_wait3A_619 = tpu.memref_slice %arg11[%dma_wait3A_618] : memref<512xi32, #tpu.memory_space<vmem>> -> memref<128xi32, #tpu.memory_space<vmem>>
    %dma_wait3A_620 = arith.constant 0 : i32
    %dma_wait3A_621 = tpu.memref_slice %arg6[%dma_wait3A_620] : memref<250000xi32, #tpu.memory_space<hbm>> -> memref<250000xi32, #tpu.memory_space<hbm>>
    tpu.wait_indirect_dma semaphore(%arg16 : memref<!tpu.dma_semaphore, #tpu.memory_space<semaphore_mem>>) src(%dma_wait3A_621 : memref<250000xi32, #tpu.memory_space<hbm>>) dst(%dma_wait3A_617 : memref<128xi32, #tpu.memory_space<vmem>>)
    %dma_wait3A_622 = arith.constant 256 : i32
    %dma_wait3A_623 = arith.constant 0 : i32
    %dma_wait3A_624 = tpu.memref_slice %arg14[%dma_wait3A_622, %dma_wait3A_623] : memref<512x64xf32, #tpu.memory_space<vmem>> -> memref<128x64xf32, #tpu.memory_space<vmem>>
    %dma_wait3A_625 = arith.constant 256 : i32
    %dma_wait3A_626 = tpu.memref_slice %arg10[%dma_wait3A_625] : memref<512xi32, #tpu.memory_space<vmem>> -> memref<128xi32, #tpu.memory_space<vmem>>
    %dma_wait3A_627 = arith.constant 0 : i32
    %dma_wait3A_628 = arith.constant 0 : i32
    %dma_wait3A_629 = tpu.memref_slice %arg2[%dma_wait3A_627, %dma_wait3A_628] : memref<1000000x64xf32, #tpu.memory_space<hbm>> -> memref<1000000x64xf32, #tpu.memory_space<hbm>>
    tpu.wait_indirect_dma semaphore(%arg17 : memref<!tpu.dma_semaphore, #tpu.memory_space<semaphore_mem>>) src(%dma_wait3A_629 : memref<1000000x64xf32, #tpu.memory_space<hbm>>) dst(%dma_wait3A_624 : memref<128x64xf32, #tpu.memory_space<vmem>>)
    %dma_wait3A_630 = arith.constant 384 : i32
    %dma_wait3A_631 = arith.constant 0 : i32
    %dma_wait3A_632 = tpu.memref_slice %arg13[%dma_wait3A_630, %dma_wait3A_631] : memref<512x64xf32, #tpu.memory_space<vmem>> -> memref<128x64xf32, #tpu.memory_space<vmem>>
    %dma_wait3A_633 = arith.constant 384 : i32
    %dma_wait3A_634 = tpu.memref_slice %arg9[%dma_wait3A_633] : memref<512xi32, #tpu.memory_space<vmem>> -> memref<128xi32, #tpu.memory_space<vmem>>
    %dma_wait3A_635 = arith.constant 0 : i32
    %dma_wait3A_636 = arith.constant 0 : i32
    %dma_wait3A_637 = tpu.memref_slice %arg3[%dma_wait3A_635, %dma_wait3A_636] : memref<4x64xf32, #tpu.memory_space<hbm>> -> memref<4x64xf32, #tpu.memory_space<hbm>>
    tpu.wait_indirect_dma semaphore(%arg15 : memref<!tpu.dma_semaphore, #tpu.memory_space<semaphore_mem>>) src(%dma_wait3A_637 : memref<4x64xf32, #tpu.memory_space<hbm>>) dst(%dma_wait3A_632 : memref<128x64xf32, #tpu.memory_space<vmem>>)
    %dma_wait3A_638 = arith.constant 384 : i32
    %dma_wait3A_639 = tpu.memref_slice %arg12[%dma_wait3A_638] : memref<512xi32, #tpu.memory_space<vmem>> -> memref<128xi32, #tpu.memory_space<vmem>>
    %dma_wait3A_640 = arith.constant 384 : i32
    %dma_wait3A_641 = tpu.memref_slice %arg11[%dma_wait3A_640] : memref<512xi32, #tpu.memory_space<vmem>> -> memref<128xi32, #tpu.memory_space<vmem>>
    %dma_wait3A_642 = arith.constant 0 : i32
    %dma_wait3A_643 = tpu.memref_slice %arg6[%dma_wait3A_642] : memref<250000xi32, #tpu.memory_space<hbm>> -> memref<250000xi32, #tpu.memory_space<hbm>>
    tpu.wait_indirect_dma semaphore(%arg16 : memref<!tpu.dma_semaphore, #tpu.memory_space<semaphore_mem>>) src(%dma_wait3A_643 : memref<250000xi32, #tpu.memory_space<hbm>>) dst(%dma_wait3A_639 : memref<128xi32, #tpu.memory_space<vmem>>)
    %dma_wait3A_644 = arith.constant 384 : i32
    %dma_wait3A_645 = arith.constant 0 : i32
    %dma_wait3A_646 = tpu.memref_slice %arg14[%dma_wait3A_644, %dma_wait3A_645] : memref<512x64xf32, #tpu.memory_space<vmem>> -> memref<128x64xf32, #tpu.memory_space<vmem>>
    %dma_wait3A_647 = arith.constant 384 : i32
    %dma_wait3A_648 = tpu.memref_slice %arg10[%dma_wait3A_647] : memref<512xi32, #tpu.memory_space<vmem>> -> memref<128xi32, #tpu.memory_space<vmem>>
    %dma_wait3A_649 = arith.constant 0 : i32
    %dma_wait3A_650 = arith.constant 0 : i32
    %dma_wait3A_651 = tpu.memref_slice %arg2[%dma_wait3A_649, %dma_wait3A_650] : memref<1000000x64xf32, #tpu.memory_space<hbm>> -> memref<1000000x64xf32, #tpu.memory_space<hbm>>
    tpu.wait_indirect_dma semaphore(%arg17 : memref<!tpu.dma_semaphore, #tpu.memory_space<semaphore_mem>>) src(%dma_wait3A_651 : memref<1000000x64xf32, #tpu.memory_space<hbm>>) dst(%dma_wait3A_646 : memref<128x64xf32, #tpu.memory_space<vmem>>)
    %iota3A = tpu.iota {dimensions = array<i32: 0>} : vector<16xi32>
    %scan3A = arith.constant 0 : i32
    %scan3A_652 = arith.constant 0 : i32
    %scan3A_653 = arith.constant 32 : i32
    %scan3A_654 = arith.addi %scan3A_652, %scan3A_653 : i32
    %scan3A_655 = arith.constant 1 : i32
    %scan3A_656 = scf.for %scan3A_658 = %scan3A_652 to %scan3A_654 step %scan3A_655 iter_args(%scan3A_659 = %scan3A) -> (i32)  : i32 {
      %mul3A_660 = arith.constant 16 : i32
      %mul3A_661 = arith.muli %scan3A_658, %mul3A_660 : i32
      %get3A_662 = arith.index_cast %mul3A_661 : i32 to index
      %get3A_663 = tpu.vector_load %arg10[%get3A_662] {strides = array<i32>} : memref<512xi32, #tpu.memory_space<vmem>>, vector<16xi32>,
      %get3A_664 = arith.index_cast %mul3A_661 : i32 to index
      %get3A_665 = tpu.vector_load %arg12[%get3A_664] {strides = array<i32>} : memref<512xi32, #tpu.memory_space<vmem>>, vector<16xi32>,
      %and3A = arith.constant 3 : i32
      %and3A_666 = vector.broadcast %and3A : i32 to vector<16xi32>
      %and3A_667 = arith.andi %get3A_663, %and3A_666 : vector<16xi32>
      %mul3A_668 = arith.constant 8 : i32
      %mul3A_669 = vector.broadcast %mul3A_668 : i32 to vector<16xi32>
      %mul3A_670 = arith.muli %and3A_667, %mul3A_669 : vector<16xi32>
      %shift_right_arithmetic3A_671 = arith.shrsi %get3A_665, %mul3A_670 : vector<16xi32>
      %and3A_672 = arith.constant 255 : i32
      %and3A_673 = vector.broadcast %and3A_672 : i32 to vector<16xi32>
      %and3A_674 = arith.andi %shift_right_arithmetic3A_671, %and3A_673 : vector<16xi32>
      %ne3A = arith.constant 0 : i32
      %ne3A_675 = vector.broadcast %ne3A : i32 to vector<16xi32>
      %ne3A_676 = arith.cmpi ne, %and3A_674, %ne3A_675 : vector<16xi32>
      %mul3A_677 = arith.constant 16 : i32
      %mul3A_678 = arith.muli %scan3A_658, %mul3A_677 : i32
      %add3A_679 = vector.broadcast %mul3A_678 : i32 to vector<16xi32>
      %add3A_680 = arith.addi %add3A_679, %iota3A : vector<16xi32>
      %scan3A_681 = arith.constant 0 : i32
      %scan3A_682 = arith.constant 0 : i32
      %scan3A_683 = arith.constant 64 : i32
      %scan3A_684 = arith.addi %scan3A_682, %scan3A_683 : i32
      %scan3A_685 = arith.constant 1 : i32
      %scan3A_686 = scf.for %scan3A_689 = %scan3A_682 to %scan3A_684 step %scan3A_685 iter_args(%scan3A_690 = %scan3A_681) -> (i32)  : i32 {
        %broadcast_in_dim3A = vector.broadcast %scan3A_689 : i32 to vector<16xi32>
        %gather3A = tpu.vector_load_idx %arg14[%add3A_680, %broadcast_in_dim3A] : memref<512x64xf32, #tpu.memory_space<vmem>>[vector<16xi32>, vector<16xi32>], vector<16xf32>,
        tpu.vector_store_idx %arg13[%add3A_680, %broadcast_in_dim3A], %gather3A masked %ne3A_676 : memref<512x64xf32, #tpu.memory_space<vmem>>[vector<16xi32>, vector<16xi32>], vector<16xf32>, vector<16xi1>
        %scan3A_691 = arith.constant 0 : i32
        scf.yield %scan3A_691 : i32
      }
      %scan3A_687 = arith.constant 64 : i32
      %scan3A_688 = arith.constant 0 : i32
      scf.yield %scan3A_688 : i32
    }
    %scan3A_657 = arith.constant 32 : i32
    "tpu.region"() ({
      %run_scoped3A = tpu.sem_alloc : memref<!tpu.dma_semaphore, #tpu.memory_space<semaphore_mem>>
      %dma_start3A_658 = arith.constant 0 : i32
      %dma_start3A_659 = tpu.memref_slice %arg7[%mul3A_2, %dma_start3A_658] : memref<16384x64xf32, #tpu.memory_space<hbm>> -> memref<512x64xf32, #tpu.memory_space<hbm>>
      %dma_start3A_660 = arith.constant 0 : i32
      %dma_start3A_661 = tpu.memref_slice %arg7[%mul3A_2, %dma_start3A_660] : memref<16384x64xf32, #tpu.memory_space<hbm>> -> memref<512x64xf32, #tpu.memory_space<hbm>>
      tpu.enqueue_dma source(%arg13 : memref<512x64xf32, #tpu.memory_space<vmem>>) target(%dma_start3A_661 : memref<512x64xf32, #tpu.memory_space<hbm>>) target_semaphore(%run_scoped3A : memref<!tpu.dma_semaphore, #tpu.memory_space<semaphore_mem>>)
      %dma_wait3A_662 = arith.constant 0 : i32
      %dma_wait3A_663 = tpu.memref_slice %arg7[%mul3A_2, %dma_wait3A_662] : memref<16384x64xf32, #tpu.memory_space<hbm>> -> memref<512x64xf32, #tpu.memory_space<hbm>>
      %dma_wait3A_664 = arith.constant 0 : i32
      %dma_wait3A_665 = tpu.memref_slice %arg7[%mul3A_2, %dma_wait3A_664] : memref<16384x64xf32, #tpu.memory_space<hbm>> -> memref<512x64xf32, #tpu.memory_space<hbm>>
      tpu.wait_dma2 semaphore(%run_scoped3A : memref<!tpu.dma_semaphore, #tpu.memory_space<semaphore_mem>>) src(%arg13 : memref<512x64xf32, #tpu.memory_space<vmem>>) dst(%dma_wait3A_665 : memref<512x64xf32, #tpu.memory_space<hbm>>)
      tpu.yield
    }) : () -> ()
    return
  }
}

</mosaic_0001>

<sc_bundles>
// kernel: branch_0_fun.3.cloned.1.call-start
scs
__scs_entry_jumppad:
0x0: {  	(pc) =	sbr.rel $0x88, $3  }
0x1: {  	(tag) =	ssettag $0x0;
	lr =	simm.s32 $0x1  }
0x2: {  	[smem:$0x3F9C] =	sst lr;
	_ =	strace $0xD0000000  }
0x3: {  	_ = 	snop  }
0x4: {  	_ = 	snop  }
0x5: {  	_ = 	snop  }
0x6: {  	_ = 	snop  }
0x7: {  	_ = 	snop  }
__scs_overlays_trampoline_lowered:
0x8: {  	[smem:$0x3FAB] =	sst s0  }
0x9: {  	[smem:$0x3FAC] =	sst s1  }
0xa: {  	[smem:$0x3FAD] =	sst s2  }
0xb: {  	[smem:$0x3FAE] =	sst s3  }
0xc: {  	[smem:$0x3FAF] =	sst s4  }
0xd: {  	[smem:$0x3FB0] =	sst s5  }
0xe: {  	[smem:$0x3FB1] =	sst s6  }
0xf: {  	[smem:$0x3FB2] =	sst s7  }
0x10: {  	[smem:$0x3FB3] =	sst s8  }
0x11: {  	[smem:$0x3FB4] =	sst s9;
	s0 =	simm.s32 @!p0 $0x0  }
0x12: {  	s1 =	sld [smem:$0x3F9A];
	s0 =	simm.s32 @p0 $0x1  }
0x13: {  	[smem:$0x3FB5] =	sst s0;
	s0 =	simm.s32 @!p1 $0x0  }
0x14: {  	s2 =	sld [smem:$0x3F99];
	s0 =	simm.s32 @p1 $0x1  }
0x15: {  	[smem:$0x3FB6] =	sst s0;
	s0 =	simm.s32 @!p2 $0x0  }
0x16: {  	s3 =	sld [smem:$0x3FDB];
	s0 =	simm.s32 @p2 $0x1  }
0x17: {  	s4 =	simm.s32 $0x1BF5;
	[smem:$0x3FB8] =	sst s0  }
0x18: {  	s0 =	sld [smem:$0x3F9B];
	_ =	swait.ge [sflag:s4], $0x0  }
0x19: {  	s7 =	sld [smem:$0x3F9C]  }
0x1a: {  	s8 =	sadd.s32 $0xFFFFE003, lr  }
0x1b: {  	s9 =	sadd.s32 $0xFFFFFEF7, lr;
	s5 =	simm.s32 $0xFFFFFFFF;
	p2 =	slt.u32 s8, $0xFFFFF086  }
0x1c: {  	p1 =	slt.u32 s9, $0xF7A;
	s5 =	simm.s32 @!p2 $0x0  }
0x1d: {  	s5 =	simm.s32 @p1 $0x1;
	p0 =	seq.s32 s7, s2  }
0x1e: {  	s7 =	smul.u32 @!p0 $0xF7A, s2;
	p2 =	seq.s32 @!p0 s5, $0x0  }
0x1f: {  	s9 =	smul.u32 $0xF7A, s1;
	s8 =	simm.s32 @!p0 $0x1BF5;
	p2 =	por !p2, p0  }
0x20: {  	[sflag:s8] =	ssyncset.s32 @!p0 $0xFFFFF086;
	s6 =	sadd.s32 @!p0 s3, s7;
	s7 =	simm.s32 @!p0 $0x108  }
0x21: {  	s3 =	sadd.s32 s3, s9;
	s6 =	sadd.s32 @!p0 $0x88, s6;
	s7 =	simm.s32 @p2 $0x1082  }
0x22: {  	[simem:s7], [sflag:s8] =	dma.local @!p0 [hbm:s6], $0xF7A  }
0x23: {  	s9 =	sor.u32 $0xD0000000, s2;
	s6 =	simm.s32 $0x108;
	_ =	swait.ge @!p0 [sflag:s8], $0x0  }
0x24: {  	s3 =	sadd.s32 $0x88, s3;
	s6 =	simm.s32 @!p1 $0x1082;
	[sflag:s4] =	ssyncset.s32 $0xFFFFF086  }
0x25: {  	[simem:s6], [sflag:s4] =	dma.local [hbm:s3], $0xF7A  }
0x26: {  	[smem:$0x3F9C] =	sst s1;
	(tag) =	ssettag s2;
	_ =	strace s9  }
0x27: {  	s1 =	sld [smem:$0x3FAC]  }
0x28: {  	s2 =	sld [smem:$0x3FAD]  }
0x29: {  	s4 =	sld [smem:$0x3FAF]  }
0x2a: {  	p0 =	seq.s32 s5, $0x0;
	s5 =	sld [smem:$0x3FB0]  }
0x2b: {  	s6 =	sld [smem:$0x3FB1]  }
0x2c: {  	s7 =	sld [smem:$0x3FB2]  }
0x2d: {  	s3 =	simm.s32 $0x108;
	s8 =	sld [smem:$0x3FB3]  }
0x2e: {  	s3 =	simm.s32 @!p0 $0x1082;
	s9 =	sld [smem:$0x3FB4]  }
0x2f: {  	lr =	sadd.s32 s0, s3;
	s0 =	sld [smem:$0x3FAB]  }
0x30: {  	s3 =	sld [smem:$0x3FAE]  }
0x31: {  	[smem:$0x3FB7] =	sst s10  }
0x32: {  	s10 =	sld [smem:$0x3FB5];
	_ =	sdelay $0x3  }
0x33: {  	p0 =	seq.s32 s10, $0x1;
	s10 =	sld [smem:$0x3FB7];
	_ =	sdelay $0x3  }
0x34: {  	[smem:$0x3FB7] =	sst s10  }
0x35: {  	s10 =	sld [smem:$0x3FB6];
	_ =	sdelay $0x3  }
0x36: {  	p1 =	seq.s32 s10, $0x1;
	s10 =	sld [smem:$0x3FB7];
	_ =	sdelay $0x3  }
0x37: {  	[smem:$0x3FB7] =	sst s10  }
0x38: {  	s10 =	sld [smem:$0x3FB8]  }
0x39: {  	_ = 	snop;
	(pc) =	sbr.ind lr, $3  }
0x3a: {  	_ = 	snop  }
0x3b: {  	_ = 	snop  }
0x3c: {  	p2 =	seq.s32 s10, $0x1;
	s10 =	sld [smem:$0x3FB7]  }
0x3d: {  	_ =	shalt  }
0x3e: {  	_ =	shalt  }
0x3f: {  	_ =	shalt  }
0x40: {  	_ =	shalt  }
0x41: {  	_ =	shalt  }
0x42: {  	_ =	shalt  }
0x43: {  	_ =	shalt  }
0x44: {  	_ =	shalt  }
0x45: {  	_ =	shalt  }
0x46: {  	_ =	shalt  }
0x47: {  	_ =	shalt  }
0x48: {  	_ =	shalt  }
0x49: {  	_ =	shalt  }
0x4a: {  	_ =	shalt  }
0x4b: {  	_ =	shalt  }
0x4c: {  	_ =	shalt  }
0x4d: {  	_ =	shalt  }
0x4e: {  	_ =	shalt  }
0x4f: {  	_ =	shalt  }
0x50: {  	_ =	shalt  }
0x51: {  	_ =	shalt  }
0x52: {  	_ =	shalt  }
0x53: {  	_ =	shalt  }
0x54: {  	_ =	shalt  }
0x55: {  	_ =	shalt  }
0x56: {  	_ =	shalt  }
0x57: {  	_ =	shalt  }
0x58: {  	_ =	shalt  }
0x59: {  	_ =	shalt  }
0x5a: {  	_ =	shalt  }
0x5b: {  	_ =	shalt  }
0x5c: {  	_ =	shalt  }
0x5d: {  	_ =	shalt  }
0x5e: {  	_ =	shalt  }
0x5f: {  	_ =	shalt  }
0x60: {  	_ =	shalt  }
0x61: {  	_ =	shalt  }
0x62: {  	_ =	shalt  }
0x63: {  	_ =	shalt  }
0x64: {  	_ =	shalt  }
0x65: {  	_ =	shalt  }
0x66: {  	_ =	shalt  }
0x67: {  	_ =	shalt  }
0x68: {  	_ =	shalt  }
0x69: {  	_ =	shalt  }
0x6a: {  	_ =	shalt  }
0x6b: {  	_ =	shalt  }
0x6c: {  	_ =	shalt  }
0x6d: {  	_ =	shalt  }
0x6e: {  	_ =	shalt  }
0x6f: {  	_ =	shalt  }
0x70: {  	_ =	shalt  }
0x71: {  	_ =	shalt  }
0x72: {  	_ =	shalt  }
0x73: {  	_ =	shalt  }
0x74: {  	_ =	shalt  }
0x75: {  	_ =	shalt  }
0x76: {  	_ =	shalt  }
0x77: {  	_ =	shalt  }
0x78: {  	_ =	shalt  }
0x79: {  	_ =	shalt  }
0x7a: {  	_ =	shalt  }
0x7b: {  	_ =	shalt  }
0x7c: {  	_ =	shalt  }
0x7d: {  	_ =	shalt  }
0x7e: {  	_ =	shalt  }
0x7f: {  	_ =	shalt  }
0x80: {  	_ =	shalt  }
0x81: {  	_ =	shalt  }
0x82: {  	_ =	shalt  }
0x83: {  	_ =	shalt  }
0x84: {  	_ =	shalt  }
0x85: {  	_ =	shalt  }
0x86: {  	_ =	shalt  }
0x87: {  	_ =	shalt  }
.Lfunc_end0:
.L_simem_size_0:
called_computation_lowered:
.L_overlay_start_0:
0x88: {  	s2 =	sld [smem:$0x3FD9]  }
0x89: {  	s3 =	sld [smem:$0x3FFE];
	_ =	sdelay $0x1  }
0x8a: {  	s1 =	srdreg.scid  }
0x8b: {  	s0 =	sand.u32 $0x1, s1  }
0x8c: {  	s17 =	sshll.u32 s0, $0xA;
	s2 =	sadd.s32 s3, s2  }
0x8d: {  	s2 =	sadd.s32 s2, s17  }
0x8e: {  	[smem:$0x3FC3] =	sst s2  }
0x8f: {  	_ = 	snop  }
0x90: {  	s2 =	sld [smem:$0x3FC6]  }
0x91: {  	s18 =	sld [smem:$0x3FD0];
	(tm) =	ssettm $0x1  }
0x92: {  	s4 =	sld [smem:$0x3FFB];
	_ =	sdelay $0x3  }
0x93: {  	_ =	strace s4  }
0x94: {  	s4 =	sld [smem:$0x3FFC];
	_ =	sdelay $0x3  }
0x95: {  	_ =	strace s4  }
0x96: {  	s4 =	sld [smem:$0x3FFD];
	_ =	sdelay $0x3  }
0x97: {  	_ =	strace s4  }
0x98: {  	_ =	strace $0x8FFFFFFF  }
0x99: {  	s19 =	sld [smem:$0x3FDB];
	_ =	sdelay $0x1  }
0x9a: {  	s5 =	simm.s32 $_scs_section_size  }
0x9b: {  	s6 =	simm.s32 $_size__tile_overlayer_lowered;
	s7 =	simm.s32 $_tile_overlayer_lowered  }
0x9c: {  	s22 =	simm.s32 $0x1BFF;
	s21 =	sshll.u32 s7, $0x1;
	s4 =	sadd.s32 s5, s19  }
0x9d: {  	s8 =	simm.s32 $0x0;
	s20 =	sshll.u32 s6, $0x1;
	s6 =	sadd.s32 s21, s4  }
0x9e: {  	[timem:s8], [sflag:s22] =	dma.local [hbm:s6], s20  }
0x9f: {  	_ =	swait.ge [sflag:s22], s20  }
0xa0: {  	s5 =	ssub.s32 $0x0, s20;
	[sflag:s22] =	ssyncset.done $0x0  }
0xa1: {  	[sflag:s22] =	ssyncadd.s32 s5;
	_ =	sdelay $0x1  }
0xa2: {  	s23 =	simm.s32 $0x1B8B  }
0xa3: {  	_ =	swait.ge [sflag:s23], $0x1  }
0xa4: {  	[sflag:s23] =	ssyncset.done $0x0  }
0xa5: {  	s25 =	simm.s32 $0x1B8E;
	s24 =	sld [smem:$0x3FFE];
	[sflag:s23] =	ssyncadd.s32 $0xFFFFFFFF  }
0xa6: {  	s26 =	simm.s32 $execute0_lowered;
	[smem:$0x3FD2] =	sst s25  }
0xa7: {  	s6 =	sshll.u32 s26, $0x1;
	_ =	strace $0x80000046;
	[dreg:$0x1] =	wrdreg $0xFFFFFFFF  }
0xa8: {  	s28 =	simm.s32 $_size_execute0_lowered;
	s4 =	sadd.s32 s4, s6;
	[dreg:$0x0] =	wrdreg $0x0  }
0xa9: {  	s6 =	sshll.u32 s28, $0x1;
	[dreg:$0x2] =	wrdreg s4  }
0xaa: {  	[dreg:$0x3] =	wrdreg s6  }
0xab: {  	[dreg:$0x4] =	wrdreg $0xC0  }
0xac: {  	_ =	task [dreg:s8], $0x5FFFF  }
0xad: {  	[dreg:$0x1] =	wrdreg $0xFFFFFFFF  }
0xae: {  	[dreg:$0x0] =	wrdreg $0x60  }
0xaf: {  	[dreg:$0x2] =	wrdreg s24  }
0xb0: {  	[dreg:$0x3] =	wrdreg s2  }
0xb1: {  	[dreg:$0x4] =	wrdreg s18  }
0xb2: {  	[dreg:$0x5] =	wrdreg $0x2000  }
0xb3: {  	[dreg:$0x6] =	wrdreg $0x9  }
0xb4: {  	_ =	task.clear_ibuf [dreg:s8], $0x7FFFF;
	_ =	strace $0x90000046  }
0xb5: {  	s29 =	simm.s32 $0x9;
	_ =	strace $0x80000048  }
0xb6: {  	_ =	swait.ge [sflag:s29], $0x1  }
0xb7: {  	[sflag:s29] =	ssyncadd.s32 $0xFFFFFFFF  }
0xb8: {  	_ =	strace $0x90000048  }
0xb9: {  	_ =	sfence  }
0xba: {  	s30 =	sld [smem:$0x0];
	_ =	sdelay $0x2  }
0xbb: {  	s31 =	sshll.u32 s1, $0xD;
	s1 =	sshrl.u32 s1, $0x2  }
0xbc: {  	s3 =	sand.u32 $0x4000, s31;
	s1 =	sadd.s32 s1, s30  }
0xbd: {  	s0 =	sor.u32 s3, s0;
	s1 =	sshll.u32 s1, $0x11  }
0xbe: {  	s0 =	sor.u32 s1, s0  }
0xbf: {  	s0 =	sadd.s32 $0x8F2B, s0  }
0xc0: {  	[sflag:s0] =	ssyncadd.remote.s32 $0x1  }
0xc1: {  	_ =	sfence.sel $0xFFFF  }
0xc2: {  	[dreg:$0x0] =	wrdreg $0xFFFFFFFF;
	(pc) =	sbr.abs _section_cstart, $3  }
0xc3: {  	[dreg:$0x1] =	wrdreg $0xFFFFFFFF  }
0xc4: {  	_ =	task.clear_ibuf [dreg:s8], $0x2FFFF;
	_ =	strace $0x9FFFFFFF  }
0xc5: {  	(tm) =	ssettm $0x7FFFFFFF  }
tec
execute0_lowered:
.L_overlay_start_1:
0x0: {  	(tag) =	ssettag $0x1  }
0x1: {  	s3 =	rddreg [dreg:$0x0]  }
0x2: {  	s4 =	rddreg [dreg:$0x1]  }
0x3: {  	s5 =	rddreg [dreg:$0x2];
	s6 =	srdreg.scid  }
0x4: {  	s2 =	rddreg [dreg:$0x3];
	s6 =	sand.u32 $0x1, s6  }
0x5: {  	s0 =	rddreg [dreg:$0x4];
	s8 =	ssub.s32 $0x2, s6  }
0x6: {  	s1 =	simm.s32 $0x0;
	s7 =	stileid.u32;
	s10 =	sshrl.u32 s8, $0x1  }
0x7: {  	s11 =	simm.s32 $0x100;
	s12 =	simm.s32 $0x4210;
	s10 =	ssub.s32 s8, s10  }
0x8: {  	s13 =	simm.s32 $0x180;
	s14 =	simm.s32 $0x6210;
	s31 =	smax.u32 s10, $0x1  }
0x9: {  	p1 =	por $0x0, $0x0;
	[smem:$0x7FF] =	sst s1;
	s18 =	sadd.s32 $0xFFFFFFFF, s31  }
0xa: {  	s9 =	sshll.u32 s7, $0xA;
	p0 =	sne.s32 s7, $0x0;
	p2 =	sne.s32 s18, $0x0  }
.Ltmp0:
0xb: {  	s7 =	simm.s32 $0x80;
	s6 =	sshll.u32 s6, $0x9;
	(pc) =	sbr.rel @!p2 .LBB2_3-.Ltmp0, $4  }
0xc: {  	_ =	strace $0x80000047;
	s15 =	sshrl.u32 @!p0 s2, $0x3;
	s6 =	sor.u32 s6, s9  }
0xd: {  	s9 =	sadd.s32 $0xC00, s3;
	s29 =	sshrl.u32 s6, $0x3;
	s30 =	sshll.u32 s6, $0x3  }
0xe: {  	s6 =	simm.s32 $0x1;
	s8 =	sadd.s32 s4, s29;
	s3 =	sadd.s32 s5, s30  }
0xf: {  	s4 =	simm.s32 $0x2;
	s5 =	simm.s32 $0x210;
	s10 =	simm.s32 $0x2210  }
0x10: {  	s16 =	simm.s32 @!p0 $0x1C02;
	s17 =	simm.s32 @!p0 $0x2  }
0x11: {  	[spmem:s15], [sflag:s16] =	dma.local @!p0 [hbm:s9], $0x20  }
0x12: {  	_ =	swait.ge @!p0 [sflag:s17], $0x20  }
0x13: {  	[sflag:s17] =	ssyncset.done @!p0 $0x0  }
0x14: {  	[sflag:s17] =	ssyncadd.s32 @!p0 $0xFFFFFFE0  }
0x15: {  	[tilespmem:s1], [sflag:$0x2] =	stream.linear.gather [hbm4b:s8+s1], $0x200, $0x38;
	[tilespmem:$0x8210] =	vst v63  }
0x16: {  	_ =	swait.ge [sflag:s4], $0x200  }
0x17: {  	[sflag:s4] =	ssyncset.done $0x0  }
0x18: {  	[sflag:s4] =	ssyncadd.s32 $0xFFFFFE00  }
0x19: {  	[bflag:$0x0] =	sbarrier.arrive $0xFFFF  }
0x1a: {  	[tilespmem:s5], [sflag:$0x1] =	stream.indirect.gather [spmem:s2], $0x40, s1, s7, $0xb8;
	[tilespmem:$0x8210] =	vst v63  }
0x1b: {  	_ = 	snop  }
0x1c: {  	[tilespmem:s10], [sflag:$0x1] =	stream.indirect.gather [spmem:s2], $0x40, s7, s7, $0xb8;
	[tilespmem:$0x8210] =	vst v63  }
0x1d: {  	_ = 	snop  }
0x1e: {  	[tilespmem:s12], [sflag:$0x1] =	stream.indirect.gather [spmem:s2], $0x40, s11, s7, $0xb8;
	[tilespmem:$0x8210] =	vst v63  }
0x1f: {  	_ = 	snop  }
0x20: {  	[tilespmem:s14], [sflag:$0x1] =	stream.indirect.gather [spmem:s2], $0x40, s13, s7, $0xb8;
	[tilespmem:$0x8210] =	vst v63  }
0x21: {  	_ =	swait.ge [sflag:s6], $0x2000  }
0x22: {  	[sflag:s6] =	ssyncset.done $0x0  }
0x23: {  	[sflag:s6] =	ssyncadd.s32 $0xFFFFE000  }
0x24: {  	_ =	swait.ge [sflag:s6], $0x2000  }
0x25: {  	[sflag:s6] =	ssyncset.done $0x0  }
0x26: {  	[sflag:s6] =	ssyncadd.s32 $0xFFFFE000  }
0x27: {  	_ =	swait.ge [sflag:s6], $0x2000  }
0x28: {  	[sflag:s6] =	ssyncset.done $0x0  }
0x29: {  	s18 =	sadd.s32 $0xFFFFFFFF, s18;
	[sflag:s6] =	ssyncadd.s32 $0xFFFFE000  }
0x2a: {  	p2 =	sne.s32 s18, $0x0;
	_ =	swait.ge [sflag:s6], $0x2000  }
.Ltmp1:
0x2b: {  	[sflag:s6] =	ssyncset.done $0x0;
	(pc) =	sbr.rel @!p2 .LBB2_3-.Ltmp1, $4  }
0x2c: {  	[sflag:s6] =	ssyncadd.s32 $0xFFFFE000  }
0x2d: {  	[hbm4b:s3+s1] =	stream.linear.scatter [tilespmem:s5], [sflag:$0x2], $0x8000, $0x38;
	[tilespmem:$0x8210] =	vst v63  }
0x2e: {  	_ =	swait.ge [sflag:s4], $0x8000  }
0x2f: {  	p1 =	por $0x1, $0x1;
	[sflag:s4] =	ssyncset.done $0x0  }
.LBB2_2:
0x30: {  	[sflag:s4] =	ssyncadd.s32 $0xFFFF8000  }
0x31: {  	[spmem:s15], [sflag:s16] =	dma.local @!p0 [hbm:s9], $0x20  }
0x32: {  	s18 =	sadd.s32 $0xFFFFFFFF, s18;
	_ =	swait.ge @!p0 [sflag:s17], $0x20  }
0x33: {  	p2 =	sne.s32 s18, $0x0;
	[sflag:s17] =	ssyncset.done @!p0 $0x0  }
0x34: {  	[sflag:s17] =	ssyncadd.s32 @!p0 $0xFFFFFFE0  }
0x35: {  	[tilespmem:s1], [sflag:$0x2] =	stream.linear.gather [hbm4b:s8+s1], $0x200, $0x38;
	[tilespmem:$0x8210] =	vst v63  }
0x36: {  	_ =	swait.ge [sflag:s4], $0x200  }
0x37: {  	[sflag:s4] =	ssyncset.done $0x0  }
0x38: {  	[sflag:s4] =	ssyncadd.s32 $0xFFFFFE00  }
0x39: {  	[bflag:$0x0] =	sbarrier.arrive $0xFFFF  }
0x3a: {  	[tilespmem:s5], [sflag:$0x1] =	stream.indirect.gather [spmem:s2], $0x40, s1, s7, $0xb8;
	[tilespmem:$0x8210] =	vst v63  }
0x3b: {  	_ = 	snop  }
0x3c: {  	[tilespmem:s10], [sflag:$0x1] =	stream.indirect.gather [spmem:s2], $0x40, s7, s7, $0xb8;
	[tilespmem:$0x8210] =	vst v63  }
0x3d: {  	_ = 	snop  }
0x3e: {  	[tilespmem:s12], [sflag:$0x1] =	stream.indirect.gather [spmem:s2], $0x40, s11, s7, $0xb8;
	[tilespmem:$0x8210] =	vst v63  }
0x3f: {  	_ = 	snop  }
0x40: {  	[tilespmem:s14], [sflag:$0x1] =	stream.indirect.gather [spmem:s2], $0x40, s13, s7, $0xb8;
	[tilespmem:$0x8210] =	vst v63  }
0x41: {  	_ =	swait.ge [sflag:s6], $0x2000  }
0x42: {  	[sflag:s6] =	ssyncset.done $0x0  }
0x43: {  	[sflag:s6] =	ssyncadd.s32 $0xFFFFE000  }
0x44: {  	_ =	swait.ge [sflag:s6], $0x2000  }
0x45: {  	[sflag:s6] =	ssyncset.done $0x0  }
0x46: {  	[sflag:s6] =	ssyncadd.s32 $0xFFFFE000  }
0x47: {  	_ =	swait.ge [sflag:s6], $0x2000  }
0x48: {  	[sflag:s6] =	ssyncset.done $0x0  }
0x49: {  	[sflag:s6] =	ssyncadd.s32 $0xFFFFE000  }
0x4a: {  	_ =	swait.ge [sflag:s6], $0x2000  }
.Ltmp2:
0x4b: {  	[sflag:s6] =	ssyncset.done $0x0;
	(pc) =	sbr.rel @p2 .LBB2_2-.Ltmp2, $4  }
0x4c: {  	[sflag:s6] =	ssyncadd.s32 $0xFFFFE000  }
0x4d: {  	[hbm4b:s3+s1] =	stream.linear.scatter [tilespmem:s5], [sflag:$0x2], $0x8000, $0x38;
	[tilespmem:$0x8210] =	vst v63  }
0x4e: {  	_ =	swait.ge [sflag:s4], $0x8000  }
0x4f: {  	[sflag:s4] =	ssyncset.done $0x0  }
.LBB2_3:
0x50: {  	s16 =	simm.s32 @!p0 $0x1C02;
	s17 =	simm.s32 @!p0 $0x2;
	[sflag:s4] =	ssyncadd.s32 @p1 $0xFFFF8000  }
0x51: {  	[spmem:s15], [sflag:s16] =	dma.local @!p0 [hbm:s9], $0x20  }
0x52: {  	_ =	swait.ge @!p0 [sflag:s17], $0x20  }
0x53: {  	[sflag:s17] =	ssyncset.done @!p0 $0x0  }
0x54: {  	[sflag:s17] =	ssyncadd.s32 @!p0 $0xFFFFFFE0  }
0x55: {  	[tilespmem:s1], [sflag:$0x2] =	stream.linear.gather [hbm4b:s8+s1], $0x200, $0x38;
	[tilespmem:$0x8210] =	vst v63  }
0x56: {  	_ =	swait.ge [sflag:s4], $0x200  }
0x57: {  	[sflag:s4] =	ssyncset.done $0x0  }
0x58: {  	[sflag:s4] =	ssyncadd.s32 $0xFFFFFE00  }
0x59: {  	[bflag:$0x0] =	sbarrier.arrive $0xFFFF  }
0x5a: {  	[tilespmem:s5], [sflag:$0x1] =	stream.indirect.gather [spmem:s2], $0x40, s1, s7, $0xb8;
	[tilespmem:$0x8210] =	vst v63  }
0x5b: {  	_ = 	snop  }
0x5c: {  	[tilespmem:s10], [sflag:$0x1] =	stream.indirect.gather [spmem:s2], $0x40, s7, s7, $0xb8;
	[tilespmem:$0x8210] =	vst v63  }
0x5d: {  	_ = 	snop  }
0x5e: {  	[tilespmem:s12], [sflag:$0x1] =	stream.indirect.gather [spmem:s2], $0x40, s11, s7, $0xb8;
	[tilespmem:$0x8210] =	vst v63  }
0x5f: {  	_ = 	snop  }
0x60: {  	[tilespmem:s14], [sflag:$0x1] =	stream.indirect.gather [spmem:s2], $0x40, s13, s7, $0xb8;
	[tilespmem:$0x8210] =	vst v63  }
0x61: {  	_ =	swait.ge [sflag:s6], $0x2000  }
0x62: {  	[sflag:s6] =	ssyncset.done $0x0  }
0x63: {  	[sflag:s6] =	ssyncadd.s32 $0xFFFFE000  }
0x64: {  	_ =	swait.ge [sflag:s6], $0x2000  }
0x65: {  	[sflag:s6] =	ssyncset.done $0x0  }
0x66: {  	[sflag:s6] =	ssyncadd.s32 $0xFFFFE000  }
0x67: {  	_ =	swait.ge [sflag:s6], $0x2000  }
0x68: {  	[sflag:s6] =	ssyncset.done $0x0  }
0x69: {  	[sflag:s6] =	ssyncadd.s32 $0xFFFFE000  }
0x6a: {  	_ =	swait.ge [sflag:s6], $0x2000  }
0x6b: {  	[sflag:s6] =	ssyncset.done $0x0  }
0x6c: {  	[sflag:s6] =	ssyncadd.s32 $0xFFFFE000  }
0x6d: {  	[hbm4b:s3+s1] =	stream.linear.scatter [tilespmem:s5], [sflag:$0x2], $0x8000, $0x38;
	[tilespmem:$0x8210] =	vst v63  }
0x6e: {  	_ =	swait.ge [sflag:s4], $0x8000  }
0x6f: {  	[sflag:s4] =	ssyncset.done $0x0  }
0x70: {  	[sflag:s4] =	ssyncadd.s32 $0xFFFF8000  }
0x71: {  	_ =	sfence.sel $0x180000  }
0x72: {  	[bflag:$0x0] =	sbarrier.arrive $0xFFFF  }
0x73: {  	_ =	strace $0x90000047  }
0x74: {  	s0 =	sadd.s32 @!p0 $0x100000, s0;
	[bflag:$0x2] =	sbarrier.arrive $0xFFFF  }
0x75: {  	[sflag:s0] =	ssyncadd.tile.s32 @!p0 $0x1;
	_ =	shalt  }
.Lfunc_end2:
_tile_overlayer_lowered:
.L_overlay_start_2:
0x76: {  	(tag) =	ssettag $0x2  }
0x77: {  	s0 =	rddreg [dreg:$0x0];
	s2 =	stileid.u32  }
0x78: {  	s1 =	rddreg [dreg:$0x1];
	p0 =	sne.s32 s2, $0x0  }
0x79: {  	s3 =	rddreg [dreg:$0x2];
	[bflag:$0x3] =	sbarrier.arrive $0xFFFF;
	s2 =	simm.s32 @!p0 $0x1C02  }
0x7a: {  	[timem:s3], [sflag:s2] =	dma.local @!p0 [hbm:s0], s1  }
0x7b: {  	s0 =	simm.s32 @!p0 $0x2  }
0x7c: {  	_ =	swait.ge @!p0 [sflag:s0], s1  }
0x7d: {  	s1 =	ssub.s32 @!p0 $0x0, s1;
	[sflag:s0] =	ssyncset.done @!p0 $0x0  }
0x7e: {  	[sflag:s0] =	ssyncadd.s32 @!p0 s1  }
0x7f: {  	[bflag:$0x3] =	sbarrier.arrive $0xFFFF  }
0x80: {  	_ =	shalt  }

// kernel: branch_1_fun.3.cloned.1.call-start
scs
__scs_entry_jumppad:
0x0: {  	(pc) =	sbr.rel $0x88, $3  }
0x1: {  	(tag) =	ssettag $0x0;
	lr =	simm.s32 $0x1  }
0x2: {  	[smem:$0x3F9C] =	sst lr;
	_ =	strace $0xD0000000  }
0x3: {  	_ = 	snop  }
0x4: {  	_ = 	snop  }
0x5: {  	_ = 	snop  }
0x6: {  	_ = 	snop  }
0x7: {  	_ = 	snop  }
__scs_overlays_trampoline_lowered:
0x8: {  	[smem:$0x3FAB] =	sst s0  }
0x9: {  	[smem:$0x3FAC] =	sst s1  }
0xa: {  	[smem:$0x3FAD] =	sst s2  }
0xb: {  	[smem:$0x3FAE] =	sst s3  }
0xc: {  	[smem:$0x3FAF] =	sst s4  }
0xd: {  	[smem:$0x3FB0] =	sst s5  }
0xe: {  	[smem:$0x3FB1] =	sst s6  }
0xf: {  	[smem:$0x3FB2] =	sst s7  }
0x10: {  	[smem:$0x3FB3] =	sst s8  }
0x11: {  	[smem:$0x3FB4] =	sst s9;
	s0 =	simm.s32 @!p0 $0x0  }
0x12: {  	s1 =	sld [smem:$0x3F9A];
	s0 =	simm.s32 @p0 $0x1  }
0x13: {  	[smem:$0x3FB5] =	sst s0;
	s0 =	simm.s32 @!p1 $0x0  }
0x14: {  	s2 =	sld [smem:$0x3F99];
	s0 =	simm.s32 @p1 $0x1  }
0x15: {  	[smem:$0x3FB6] =	sst s0;
	s0 =	simm.s32 @!p2 $0x0  }
0x16: {  	s3 =	sld [smem:$0x3FDB];
	s0 =	simm.s32 @p2 $0x1  }
0x17: {  	s4 =	simm.s32 $0x1BF5;
	[smem:$0x3FB8] =	sst s0  }
0x18: {  	s0 =	sld [smem:$0x3F9B];
	_ =	swait.ge [sflag:s4], $0x0  }
0x19: {  	s7 =	sld [smem:$0x3F9C]  }
0x1a: {  	s8 =	sadd.s32 $0xFFFFE003, lr  }
0x1b: {  	s9 =	sadd.s32 $0xFFFFFEF7, lr;
	s5 =	simm.s32 $0xFFFFFFFF;
	p2 =	slt.u32 s8, $0xFFFFF086  }
0x1c: {  	p1 =	slt.u32 s9, $0xF7A;
	s5 =	simm.s32 @!p2 $0x0  }
0x1d: {  	s5 =	simm.s32 @p1 $0x1;
	p0 =	seq.s32 s7, s2  }
0x1e: {  	s7 =	smul.u32 @!p0 $0xF7A, s2;
	p2 =	seq.s32 @!p0 s5, $0x0  }
0x1f: {  	s9 =	smul.u32 $0xF7A, s1;
	s8 =	simm.s32 @!p0 $0x1BF5;
	p2 =	por !p2, p0  }
0x20: {  	[sflag:s8] =	ssyncset.s32 @!p0 $0xFFFFF086;
	s6 =	sadd.s32 @!p0 s3, s7;
	s7 =	simm.s32 @!p0 $0x108  }
0x21: {  	s3 =	sadd.s32 s3, s9;
	s6 =	sadd.s32 @!p0 $0x88, s6;
	s7 =	simm.s32 @p2 $0x1082  }
0x22: {  	[simem:s7], [sflag:s8] =	dma.local @!p0 [hbm:s6], $0xF7A  }
0x23: {  	s9 =	sor.u32 $0xD0000000, s2;
	s6 =	simm.s32 $0x108;
	_ =	swait.ge @!p0 [sflag:s8], $0x0  }
0x24: {  	s3 =	sadd.s32 $0x88, s3;
	s6 =	simm.s32 @!p1 $0x1082;
	[sflag:s4] =	ssyncset.s32 $0xFFFFF086  }
0x25: {  	[simem:s6], [sflag:s4] =	dma.local [hbm:s3], $0xF7A  }
0x26: {  	[smem:$0x3F9C] =	sst s1;
	(tag) =	ssettag s2;
	_ =	strace s9  }
0x27: {  	s1 =	sld [smem:$0x3FAC]  }
0x28: {  	s2 =	sld [smem:$0x3FAD]  }
0x29: {  	s4 =	sld [smem:$0x3FAF]  }
0x2a: {  	p0 =	seq.s32 s5, $0x0;
	s5 =	sld [smem:$0x3FB0]  }
0x2b: {  	s6 =	sld [smem:$0x3FB1]  }
0x2c: {  	s7 =	sld [smem:$0x3FB2]  }
0x2d: {  	s3 =	simm.s32 $0x108;
	s8 =	sld [smem:$0x3FB3]  }
0x2e: {  	s3 =	simm.s32 @!p0 $0x1082;
	s9 =	sld [smem:$0x3FB4]  }
0x2f: {  	lr =	sadd.s32 s0, s3;
	s0 =	sld [smem:$0x3FAB]  }
0x30: {  	s3 =	sld [smem:$0x3FAE]  }
0x31: {  	[smem:$0x3FB7] =	sst s10  }
0x32: {  	s10 =	sld [smem:$0x3FB5];
	_ =	sdelay $0x3  }
0x33: {  	p0 =	seq.s32 s10, $0x1;
	s10 =	sld [smem:$0x3FB7];
	_ =	sdelay $0x3  }
0x34: {  	[smem:$0x3FB7] =	sst s10  }
0x35: {  	s10 =	sld [smem:$0x3FB6];
	_ =	sdelay $0x3  }
0x36: {  	p1 =	seq.s32 s10, $0x1;
	s10 =	sld [smem:$0x3FB7];
	_ =	sdelay $0x3  }
0x37: {  	[smem:$0x3FB7] =	sst s10  }
0x38: {  	s10 =	sld [smem:$0x3FB8]  }
0x39: {  	_ = 	snop;
	(pc) =	sbr.ind lr, $3  }
0x3a: {  	_ = 	snop  }
0x3b: {  	_ = 	snop  }
0x3c: {  	p2 =	seq.s32 s10, $0x1;
	s10 =	sld [smem:$0x3FB7]  }
0x3d: {  	_ =	shalt  }
0x3e: {  	_ =	shalt  }
0x3f: {  	_ =	shalt  }
0x40: {  	_ =	shalt  }
0x41: {  	_ =	shalt  }
0x42: {  	_ =	shalt  }
0x43: {  	_ =	shalt  }
0x44: {  	_ =	shalt  }
0x45: {  	_ =	shalt  }
0x46: {  	_ =	shalt  }
0x47: {  	_ =	shalt  }
0x48: {  	_ =	shalt  }
0x49: {  	_ =	shalt  }
0x4a: {  	_ =	shalt  }
0x4b: {  	_ =	shalt  }
0x4c: {  	_ =	shalt  }
0x4d: {  	_ =	shalt  }
0x4e: {  	_ =	shalt  }
0x4f: {  	_ =	shalt  }
0x50: {  	_ =	shalt  }
0x51: {  	_ =	shalt  }
0x52: {  	_ =	shalt  }
0x53: {  	_ =	shalt  }
0x54: {  	_ =	shalt  }
0x55: {  	_ =	shalt  }
0x56: {  	_ =	shalt  }
0x57: {  	_ =	shalt  }
0x58: {  	_ =	shalt  }
0x59: {  	_ =	shalt  }
0x5a: {  	_ =	shalt  }
0x5b: {  	_ =	shalt  }
0x5c: {  	_ =	shalt  }
0x5d: {  	_ =	shalt  }
0x5e: {  	_ =	shalt  }
0x5f: {  	_ =	shalt  }
0x60: {  	_ =	shalt  }
0x61: {  	_ =	shalt  }
0x62: {  	_ =	shalt  }
0x63: {  	_ =	shalt  }
0x64: {  	_ =	shalt  }
0x65: {  	_ =	shalt  }
0x66: {  	_ =	shalt  }
0x67: {  	_ =	shalt  }
0x68: {  	_ =	shalt  }
0x69: {  	_ =	shalt  }
0x6a: {  	_ =	shalt  }
0x6b: {  	_ =	shalt  }
0x6c: {  	_ =	shalt  }
0x6d: {  	_ =	shalt  }
0x6e: {  	_ =	shalt  }
0x6f: {  	_ =	shalt  }
0x70: {  	_ =	shalt  }
0x71: {  	_ =	shalt  }
0x72: {  	_ =	shalt  }
0x73: {  	_ =	shalt  }
0x74: {  	_ =	shalt  }
0x75: {  	_ =	shalt  }
0x76: {  	_ =	shalt  }
0x77: {  	_ =	shalt  }
0x78: {  	_ =	shalt  }
0x79: {  	_ =	shalt  }
0x7a: {  	_ =	shalt  }
0x7b: {  	_ =	shalt  }
0x7c: {  	_ =	shalt  }
0x7d: {  	_ =	shalt  }
0x7e: {  	_ =	shalt  }
0x7f: {  	_ =	shalt  }
0x80: {  	_ =	shalt  }
0x81: {  	_ =	shalt  }
0x82: {  	_ =	shalt  }
0x83: {  	_ =	shalt  }
0x84: {  	_ =	shalt  }
0x85: {  	_ =	shalt  }
0x86: {  	_ =	shalt  }
0x87: {  	_ =	shalt  }
.Lfunc_end0:
.L_simem_size_0:
called_computation.1_lowered:
.L_overlay_start_0:
0x88: {  	s2 =	sld [smem:$0x3FD9]  }
0x89: {  	s3 =	sld [smem:$0x3FFE];
	_ =	sdelay $0x1  }
0x8a: {  	s1 =	srdreg.scid  }
0x8b: {  	s0 =	sand.u32 $0x1, s1  }
0x8c: {  	s17 =	sshll.u32 s0, $0xA;
	s2 =	sadd.s32 s3, s2  }
0x8d: {  	s2 =	sadd.s32 s2, s17  }
0x8e: {  	[smem:$0x3FC3] =	sst s2  }
0x8f: {  	_ = 	snop  }
0x90: {  	s2 =	sld [smem:$0x3FC7]  }
0x91: {  	s18 =	sld [smem:$0x3FC6]  }
0x92: {  	s4 =	sld [smem:$0x3FD0];
	(tm) =	ssettm $0x1  }
0x93: {  	s5 =	sld [smem:$0x3FFB];
	_ =	sdelay $0x3  }
0x94: {  	_ =	strace s5  }
0x95: {  	s5 =	sld [smem:$0x3FFC];
	_ =	sdelay $0x3  }
0x96: {  	_ =	strace s5  }
0x97: {  	s5 =	sld [smem:$0x3FFD];
	_ =	sdelay $0x3  }
0x98: {  	_ =	strace s5  }
0x99: {  	_ =	strace $0x8FFFFFFF  }
0x9a: {  	s19 =	sld [smem:$0x3FDB];
	_ =	sdelay $0x1  }
0x9b: {  	s6 =	simm.s32 $_scs_section_size  }
0x9c: {  	s7 =	simm.s32 $_size__tile_overlayer_lowered;
	s8 =	simm.s32 $_tile_overlayer_lowered  }
0x9d: {  	s22 =	simm.s32 $0x1BFF;
	s21 =	sshll.u32 s8, $0x1;
	s5 =	sadd.s32 s6, s19  }
0x9e: {  	s9 =	simm.s32 $0x0;
	s20 =	sshll.u32 s7, $0x1;
	s7 =	sadd.s32 s21, s5  }
0x9f: {  	[timem:s9], [sflag:s22] =	dma.local [hbm:s7], s20  }
0xa0: {  	_ =	swait.ge [sflag:s22], s20  }
0xa1: {  	s6 =	ssub.s32 $0x0, s20;
	[sflag:s22] =	ssyncset.done $0x0  }
0xa2: {  	[sflag:s22] =	ssyncadd.s32 s6;
	_ =	sdelay $0x1  }
0xa3: {  	s23 =	simm.s32 $0x1B8B  }
0xa4: {  	_ =	swait.ge [sflag:s23], $0x1  }
0xa5: {  	[sflag:s23] =	ssyncset.done $0x0  }
0xa6: {  	s25 =	simm.s32 $0x1B8E;
	s24 =	sld [smem:$0x3FFE];
	[sflag:s23] =	ssyncadd.s32 $0xFFFFFFFF  }
0xa7: {  	s26 =	simm.s32 $execute0_lowered;
	[smem:$0x3FD2] =	sst s25  }
0xa8: {  	s7 =	sshll.u32 s26, $0x1;
	_ =	strace $0x80000049;
	[dreg:$0x1] =	wrdreg $0xFFFFFFFF  }
0xa9: {  	s28 =	simm.s32 $_size_execute0_lowered;
	s5 =	sadd.s32 s5, s7;
	[dreg:$0x0] =	wrdreg $0x0  }
0xaa: {  	s7 =	sshll.u32 s28, $0x1;
	[dreg:$0x2] =	wrdreg s5  }
0xab: {  	[dreg:$0x3] =	wrdreg s7  }
0xac: {  	[dreg:$0x4] =	wrdreg $0xC0  }
0xad: {  	_ =	task [dreg:s9], $0x5FFFF  }
0xae: {  	[dreg:$0x1] =	wrdreg $0xFFFFFFFF  }
0xaf: {  	[dreg:$0x0] =	wrdreg $0x60  }
0xb0: {  	[dreg:$0x2] =	wrdreg s24  }
0xb1: {  	[dreg:$0x3] =	wrdreg s2  }
0xb2: {  	[dreg:$0x4] =	wrdreg s18  }
0xb3: {  	[dreg:$0x5] =	wrdreg s4  }
0xb4: {  	[dreg:$0x6] =	wrdreg $0x9  }
0xb5: {  	_ =	task.clear_ibuf [dreg:s9], $0x7FFFF;
	_ =	strace $0x90000049  }
0xb6: {  	s29 =	simm.s32 $0x9;
	_ =	strace $0x8000004B  }
0xb7: {  	_ =	swait.ge [sflag:s29], $0x1  }
0xb8: {  	[sflag:s29] =	ssyncadd.s32 $0xFFFFFFFF  }
0xb9: {  	_ =	strace $0x9000004B  }
0xba: {  	_ =	sfence  }
0xbb: {  	s30 =	sld [smem:$0x0];
	_ =	sdelay $0x2  }
0xbc: {  	s31 =	sshll.u32 s1, $0xD;
	s1 =	sshrl.u32 s1, $0x2  }
0xbd: {  	s3 =	sand.u32 $0x4000, s31;
	s1 =	sadd.s32 s1, s30  }
0xbe: {  	s0 =	sor.u32 s3, s0;
	s1 =	sshll.u32 s1, $0x11  }
0xbf: {  	s0 =	sor.u32 s1, s0  }
0xc0: {  	s0 =	sadd.s32 $0x8F2B, s0  }
0xc1: {  	[sflag:s0] =	ssyncadd.remote.s32 $0x1  }
0xc2: {  	_ =	sfence.sel $0xFFFF  }
0xc3: {  	[dreg:$0x0] =	wrdreg $0xFFFFFFFF;
	(pc) =	sbr.abs _section_cstart, $3  }
0xc4: {  	[dreg:$0x1] =	wrdreg $0xFFFFFFFF  }
0xc5: {  	_ =	task.clear_ibuf [dreg:s9], $0x2FFFF;
	_ =	strace $0x9FFFFFFF  }
0xc6: {  	(tm) =	ssettm $0x7FFFFFFF  }
0xc7: {  	_ =	shalt  }
tec
execute0_lowered:
.L_overlay_start_1:
0x0: {  	(tag) =	ssettag $0x1  }
0x1: {  	s0 =	rddreg [dreg:$0x0]  }
0x2: {  	s1 =	rddreg [dreg:$0x1]  }
0x3: {  	s7 =	rddreg [dreg:$0x2]  }
0x4: {  	s8 =	rddreg [dreg:$0x3]  }
0x5: {  	s2 =	simm.s32 $0x0;
	s3 =	srdreg.scid;
	s4 =	stileid.u32  }
0x6: {  	s12 =	simm.s32 $0x80;
	s13 =	simm.s32 $0xA00;
	s17 =	simm.s32 $0x8A00  }
0x7: {  	s28 =	simm.s32 $0x900;
	s29 =	simm.s32 $0x500;
	s30 =	simm.s32 $0xCA00  }
0x8: {  	s31 =	simm.s32 $0x380;
	s14 =	simm.s32 $0x980;
	s15 =	simm.s32 $0x580  }
0x9: {  	s16 =	simm.s32 $0xEA00;
	s18 =	simm.s32 $0x1;
	s19 =	simm.s32 $0x2  }
0xa: {  	s20 =	simm.s32 $0x3;
	s21 =	simm.s32 $0x0;
	s24 =	simm.s32 $0x0  }
0xb: {  	[smem:$0x7FF] =	sst s2;
	s5 =	sand.u32 $0x1, s3;
	s3 =	sadd.s32 $0xF43000, s0  }
0xc: {  	s6 =	sshll.u32 s4, $0xA;
	s4 =	sadd.s32 $0xC00, s0;
	s9 =	sshll.u32 s5, $0x9  }
0xd: {  	_ =	strace $0x8000004A;
	s10 =	ssub.s32 $0x2, s5;
	s9 =	sor.u32 s9, s6  }
0xe: {  	s5 =	sadd.s32 $0x3D1600, s0;
	s25 =	sshrl.u32 s10, $0x1;
	s11 =	sshrl.u32 s9, $0x3  }
0xf: {  	s0 =	ssub.s32 s10, s25;
	s26 =	sshll.u32 s9, $0x3;
	s10 =	simm.s32 $0x4  }
0x10: {  	s25 =	simm.s32 $0x4A00;
	s6 =	sadd.s32 s1, s11;
	s7 =	sadd.s32 s7, s11  }
0x11: {  	v0 =	vlaneseq.u32;
	s8 =	sadd.s32 s8, s26;
	s9 =	smax.u32 s0, $0x1;
	s11 =	simm.s32 $0x200  }
0x12: {  	v0 =	vmul.u32 $0x40, v0;
	s26 =	simm.s32 $0x700;
	s0 =	simm.s32 $0x6A00;
	s1 =	simm.s32 $0x780  }
.LBB2_1:
0x13: {  	[tilespmem:s2], [sflag:$0x4] =	stream.linear.gather [hbm4b:s6+s2], $0x200, $0x38;
	[tilespmem:$0x10A00] =	vst v63  }
0x14: {  	_ =	swait.ge [sflag:s10], $0x200  }
0x15: {  	[sflag:s10] =	ssyncset.done $0x0  }
0x16: {  	[sflag:s10] =	ssyncadd.s32 $0xFFFFFE00  }
0x17: {  	[tilespmem:s11], [sflag:$0x4] =	stream.linear.gather [hbm4b:s7+s2], $0x200, $0x38;
	[tilespmem:$0x10A00] =	vst v63  }
0x18: {  	_ =	swait.ge [sflag:s10], $0x200  }
0x19: {  	[sflag:s10] =	ssyncset.done $0x0  }
0x1a: {  	[sflag:s10] =	ssyncadd.s32 $0xFFFFFE00  }
0x1b: {  	v1 =	vld [tilespmem:$0x0];
	_ =	sdelay $0x1  }
0x1c: {  	v2 =	vld [tilespmem:$0x10];
	_ =	sdelay $0x1  }
0x1d: {  	v3 =	vld [tilespmem:$0x20]  }
0x1e: {  	vm0 =	vgt.s32 v1, $0x0  }
0x1f: {  	v4 =	vld [tilespmem:$0x30];
	v1 =	vnsel vm0, $0x0, v1  }
0x20: {  	vm9 =	vgt.s32 v2, $0x0;
	v1 =	vmin.u32 v1, $0xF423F  }
0x21: {  	v5 =	vld [tilespmem:$0x40];
	v2 =	vnsel vm9, $0x0, v2;
	[tilespmem:$0x400] =	vst v1;
	v1 =	vshrl.u32 v1, $0x2  }
0x22: {  	vm10 =	vgt.s32 v3, $0x0;
	[tilespmem:$0x600] =	vst v1;
	v1 =	vmin.u32 v2, $0xF423F  }
0x23: {  	v2 =	vnsel vm10, $0x0, v3;
	v3 =	vld [tilespmem:$0x50];
	[tilespmem:$0x410] =	vst v1;
	v1 =	vshrl.u32 v1, $0x2  }
0x24: {  	vm11 =	vgt.s32 v4, $0x0;
	[tilespmem:$0x610] =	vst v1;
	v1 =	vmin.u32 v2, $0xF423F  }
0x25: {  	v46 =	vld [tilespmem:$0x60];
	v2 =	vnsel vm11, $0x0, v4;
	[tilespmem:$0x420] =	vst v1;
	v1 =	vshrl.u32 v1, $0x2  }
0x26: {  	vm12 =	vgt.s32 v5, $0x0;
	[tilespmem:$0x620] =	vst v1;
	v1 =	vmin.u32 v2, $0xF423F  }
0x27: {  	v47 =	vld [tilespmem:$0x70];
	v2 =	vnsel vm12, $0x0, v5;
	[tilespmem:$0x430] =	vst v1;
	v1 =	vshrl.u32 v1, $0x2  }
0x28: {  	vm13 =	vgt.s32 v3, $0x0;
	[tilespmem:$0x630] =	vst v1;
	v1 =	vmin.u32 v2, $0xF423F  }
0x29: {  	v2 =	vnsel vm13, $0x0, v3;
	v3 =	vld [tilespmem:$0x80];
	[tilespmem:$0x440] =	vst v1;
	v1 =	vshrl.u32 v1, $0x2  }
0x2a: {  	vm14 =	vgt.s32 v46, $0x0;
	[tilespmem:$0x640] =	vst v1;
	v1 =	vmin.u32 v2, $0xF423F  }
0x2b: {  	v48 =	vld [tilespmem:$0x90];
	v2 =	vnsel vm14, $0x0, v46;
	[tilespmem:$0x450] =	vst v1;
	v1 =	vshrl.u32 v1, $0x2  }
0x2c: {  	vm15 =	vgt.s32 v47, $0x0;
	[tilespmem:$0x650] =	vst v1;
	v1 =	vmin.u32 v2, $0xF423F  }
0x2d: {  	v49 =	vld [tilespmem:$0xA0];
	v2 =	vnsel vm15, $0x0, v47;
	[tilespmem:$0x460] =	vst v1;
	v1 =	vshrl.u32 v1, $0x2  }
0x2e: {  	vm4 =	vgt.s32 v3, $0x0;
	[tilespmem:$0x660] =	vst v1;
	v1 =	vmin.u32 v2, $0xF423F  }
0x2f: {  	v2 =	vnsel vm4, $0x0, v3;
	v3 =	vld [tilespmem:$0xB0];
	[tilespmem:$0x470] =	vst v1;
	v1 =	vshrl.u32 v1, $0x2  }
0x30: {  	vm5 =	vgt.s32 v48, $0x0;
	[tilespmem:$0x670] =	vst v1;
	v1 =	vmin.u32 v2, $0xF423F  }
0x31: {  	v50 =	vld [tilespmem:$0xC0];
	v2 =	vnsel vm5, $0x0, v48;
	[tilespmem:$0x480] =	vst v1;
	v1 =	vshrl.u32 v1, $0x2  }
0x32: {  	vm6 =	vgt.s32 v49, $0x0;
	[tilespmem:$0x680] =	vst v1;
	v1 =	vmin.u32 v2, $0xF423F  }
0x33: {  	v51 =	vld [tilespmem:$0xD0];
	v2 =	vnsel vm6, $0x0, v49;
	[tilespmem:$0x490] =	vst v1;
	v1 =	vshrl.u32 v1, $0x2  }
0x34: {  	vm7 =	vgt.s32 v3, $0x0;
	[tilespmem:$0x690] =	vst v1;
	v1 =	vmin.u32 v2, $0xF423F  }
0x35: {  	v2 =	vnsel vm7, $0x0, v3;
	v3 =	vld [tilespmem:$0xE0];
	[tilespmem:$0x4A0] =	vst v1;
	v1 =	vshrl.u32 v1, $0x2  }
0x36: {  	vm8 =	vgt.s32 v50, $0x0;
	[tilespmem:$0x6A0] =	vst v1;
	v1 =	vmin.u32 v2, $0xF423F  }
0x37: {  	v52 =	vld [tilespmem:$0xF0];
	v2 =	vnsel vm8, $0x0, v50;
	[tilespmem:$0x4B0] =	vst v1;
	v1 =	vshrl.u32 v1, $0x2  }
0x38: {  	vm9 =	vgt.s32 v51, $0x0;
	[tilespmem:$0x6B0] =	vst v1;
	v1 =	vmin.u32 v2, $0xF423F  }
0x39: {  	v53 =	vld [tilespmem:$0x100];
	v2 =	vnsel vm9, $0x0, v51;
	[tilespmem:$0x4C0] =	vst v1;
	v1 =	vshrl.u32 v1, $0x2  }
0x3a: {  	vm10 =	vgt.s32 v3, $0x0;
	[tilespmem:$0x6C0] =	vst v1;
	v1 =	vmin.u32 v2, $0xF423F  }
0x3b: {  	v2 =	vnsel vm10, $0x0, v3;
	v3 =	vld [tilespmem:$0x110];
	[tilespmem:$0x4D0] =	vst v1;
	v1 =	vshrl.u32 v1, $0x2  }
0x3c: {  	vm11 =	vgt.s32 v52, $0x0;
	[tilespmem:$0x6D0] =	vst v1;
	v1 =	vmin.u32 v2, $0xF423F  }
0x3d: {  	v54 =	vld [tilespmem:$0x120];
	v2 =	vnsel vm11, $0x0, v52;
	[tilespmem:$0x4E0] =	vst v1;
	v1 =	vshrl.u32 v1, $0x2  }
0x3e: {  	vm12 =	vgt.s32 v53, $0x0;
	[tilespmem:$0x6E0] =	vst v1;
	v1 =	vmin.u32 v2, $0xF423F  }
0x3f: {  	v55 =	vld [tilespmem:$0x130];
	v2 =	vnsel vm12, $0x0, v53;
	[tilespmem:$0x4F0] =	vst v1;
	v1 =	vshrl.u32 v1, $0x2  }
0x40: {  	vm13 =	vgt.s32 v3, $0x0;
	[tilespmem:$0x6F0] =	vst v1;
	v1 =	vmin.u32 v2, $0xF423F  }
0x41: {  	v2 =	vnsel vm13, $0x0, v3;
	v3 =	vld [tilespmem:$0x140];
	[tilespmem:$0x500] =	vst v1;
	v1 =	vshrl.u32 v1, $0x2  }
0x42: {  	vm14 =	vgt.s32 v54, $0x0;
	[tilespmem:$0x700] =	vst v1;
	v1 =	vmin.u32 v2, $0xF423F  }
0x43: {  	v56 =	vld [tilespmem:$0x150];
	v2 =	vnsel vm14, $0x0, v54;
	[tilespmem:$0x510] =	vst v1;
	v1 =	vshrl.u32 v1, $0x2  }
0x44: {  	vm15 =	vgt.s32 v55, $0x0;
	[tilespmem:$0x710] =	vst v1;
	v1 =	vmin.u32 v2, $0xF423F  }
0x45: {  	v57 =	vld [tilespmem:$0x160];
	v2 =	vnsel vm15, $0x0, v55;
	[tilespmem:$0x520] =	vst v1;
	v1 =	vshrl.u32 v1, $0x2  }
0x46: {  	vm4 =	vgt.s32 v3, $0x0;
	[tilespmem:$0x720] =	vst v1;
	v1 =	vmin.u32 v2, $0xF423F  }
0x47: {  	v2 =	vnsel vm4, $0x0, v3;
	v3 =	vld [tilespmem:$0x170];
	[tilespmem:$0x530] =	vst v1;
	v1 =	vshrl.u32 v1, $0x2  }
0x48: {  	vm5 =	vgt.s32 v56, $0x0;
	[tilespmem:$0x730] =	vst v1;
	v1 =	vmin.u32 v2, $0xF423F  }
0x49: {  	v58 =	vld [tilespmem:$0x180];
	v2 =	vnsel vm5, $0x0, v56;
	[tilespmem:$0x540] =	vst v1;
	v1 =	vshrl.u32 v1, $0x2  }
0x4a: {  	vm6 =	vgt.s32 v57, $0x0;
	[tilespmem:$0x740] =	vst v1;
	v1 =	vmin.u32 v2, $0xF423F  }
0x4b: {  	v59 =	vld [tilespmem:$0x190];
	v2 =	vnsel vm6, $0x0, v57;
	[tilespmem:$0x550] =	vst v1;
	v1 =	vshrl.u32 v1, $0x2  }
0x4c: {  	vm7 =	vgt.s32 v3, $0x0;
	[tilespmem:$0x750] =	vst v1;
	v1 =	vmin.u32 v2, $0xF423F  }
0x4d: {  	v2 =	vnsel vm7, $0x0, v3;
	v3 =	vld [tilespmem:$0x1A0];
	[tilespmem:$0x560] =	vst v1;
	v1 =	vshrl.u32 v1, $0x2  }
0x4e: {  	vm8 =	vgt.s32 v58, $0x0;
	[tilespmem:$0x760] =	vst v1;
	v1 =	vmin.u32 v2, $0xF423F  }
0x4f: {  	v60 =	vld [tilespmem:$0x1B0];
	v2 =	vnsel vm8, $0x0, v58;
	[tilespmem:$0x570] =	vst v1;
	v1 =	vshrl.u32 v1, $0x2  }
0x50: {  	vm9 =	vgt.s32 v59, $0x0;
	[tilespmem:$0x770] =	vst v1;
	v1 =	vmin.u32 v2, $0xF423F  }
0x51: {  	v61 =	vld [tilespmem:$0x1C0];
	v2 =	vnsel vm9, $0x0, v59;
	[tilespmem:$0x580] =	vst v1;
	v1 =	vshrl.u32 v1, $0x2  }
0x52: {  	vm10 =	vgt.s32 v3, $0x0;
	[tilespmem:$0x780] =	vst v1;
	v1 =	vmin.u32 v2, $0xF423F  }
0x53: {  	v2 =	vnsel vm10, $0x0, v3;
	v3 =	vld [tilespmem:$0x1D0];
	[tilespmem:$0x590] =	vst v1;
	v1 =	vshrl.u32 v1, $0x2  }
0x54: {  	vm11 =	vgt.s32 v60, $0x0;
	[tilespmem:$0x790] =	vst v1;
	v1 =	vmin.u32 v2, $0xF423F  }
0x55: {  	v62 =	vld [tilespmem:$0x1E0];
	v2 =	vnsel vm11, $0x0, v60;
	[tilespmem:$0x5A0] =	vst v1;
	v1 =	vshrl.u32 v1, $0x2  }
0x56: {  	vm12 =	vgt.s32 v61, $0x0;
	[tilespmem:$0x7A0] =	vst v1;
	v1 =	vmin.u32 v2, $0xF423F  }
0x57: {  	v63 =	vld [tilespmem:$0x1F0];
	v2 =	vnsel vm12, $0x0, v61;
	[tilespmem:$0x5B0] =	vst v1;
	v1 =	vshrl.u32 v1, $0x2  }
0x58: {  	vm13 =	vgt.s32 v3, $0x0;
	[tilespmem:$0x7B0] =	vst v1;
	v1 =	vmin.u32 v2, $0xF423F  }
0x59: {  	v2 =	vnsel vm13, $0x0, v3;
	[tilespmem:$0x5C0] =	vst v1;
	v1 =	vshrl.u32 v1, $0x2  }
0x5a: {  	vm14 =	vgt.s32 v62, $0x0;
	[tilespmem:$0x7C0] =	vst v1;
	v1 =	vmin.u32 v2, $0xF423F  }
0x5b: {  	v2 =	vnsel vm14, $0x0, v62;
	[tilespmem:$0x5D0] =	vst v1;
	v1 =	vshrl.u32 v1, $0x2  }
0x5c: {  	vm15 =	vgt.s32 v63, $0x0;
	[tilespmem:$0x7D0] =	vst v1;
	v1 =	vmin.u32 v2, $0xF423F  }
0x5d: {  	v2 =	vnsel vm15, $0x0, v63;
	[tilespmem:$0x5E0] =	vst v1;
	v1 =	vshrl.u32 v1, $0x2  }
0x5e: {  	[tilespmem:$0x7E0] =	vst v1;
	v1 =	vmin.u32 v2, $0xF423F  }
0x5f: {  	[tilespmem:$0x5F0] =	vst v1;
	v1 =	vshrl.u32 v1, $0x2  }
0x60: {  	[tilespmem:$0x7F0] =	vst v1  }
0x61: {  	[tilespmem:s13], [sflag:$0x1] =	stream.indirect.gather [hbm4b:s4+s12], $0x40, s11, s12, $0xb8;
	[tilespmem:$0x10A00] =	vst v63  }
0x62: {  	s22 =	simm.s32 $0x600;
	s23 =	simm.s32 $0x800  }
0x63: {  	[tilespmem:s23], [sflag:$0x2] =	stream.indirect.gather [hbm4b:s5+s12], $0x1, s22, s12, $0xb8;
	[tilespmem:$0x10A00] =	vst v63  }
0x64: {  	s23 =	simm.s32 $0x400  }
0x65: {  	[tilespmem:s17], [sflag:$0x3] =	stream.indirect.gather [hbm4b:s3+s12], $0x40, s23, s12, $0xb8;
	[tilespmem:$0x10A00] =	vst v63  }
0x66: {  	s22 =	simm.s32 $0x280;
	s23 =	simm.s32 $0x2A00  }
0x67: {  	[tilespmem:s23], [sflag:$0x1] =	stream.indirect.gather [hbm4b:s4+s12], $0x40, s22, s12, $0xb8;
	[tilespmem:$0x10A00] =	vst v63  }
0x68: {  	s22 =	simm.s32 $0x680;
	s23 =	simm.s32 $0x880  }
0x69: {  	[tilespmem:s23], [sflag:$0x2] =	stream.indirect.gather [hbm4b:s5+s12], $0x1, s22, s12, $0xb8;
	[tilespmem:$0x10A00] =	vst v63  }
0x6a: {  	s22 =	simm.s32 $0x480;
	s23 =	simm.s32 $0xAA00  }
0x6b: {  	[tilespmem:s23], [sflag:$0x3] =	stream.indirect.gather [hbm4b:s3+s12], $0x40, s22, s12, $0xb8;
	[tilespmem:$0x10A00] =	vst v63  }
0x6c: {  	s23 =	simm.s32 $0x300  }
0x6d: {  	[tilespmem:s25], [sflag:$0x1] =	stream.indirect.gather [hbm4b:s4+s12], $0x40, s23, s12, $0xb8;
	[tilespmem:$0x10A00] =	vst v63  }
0x6e: {  	_ = 	snop  }
0x6f: {  	[tilespmem:s28], [sflag:$0x2] =	stream.indirect.gather [hbm4b:s5+s12], $0x1, s26, s12, $0xb8;
	[tilespmem:$0x10A00] =	vst v63  }
0x70: {  	_ = 	snop  }
0x71: {  	[tilespmem:s30], [sflag:$0x3] =	stream.indirect.gather [hbm4b:s3+s12], $0x40, s29, s12, $0xb8;
	[tilespmem:$0x10A00] =	vst v63  }
0x72: {  	_ = 	snop  }
0x73: {  	[tilespmem:s0], [sflag:$0x1] =	stream.indirect.gather [hbm4b:s4+s12], $0x40, s31, s12, $0xb8;
	[tilespmem:$0x10A00] =	vst v63  }
0x74: {  	_ = 	snop  }
0x75: {  	[tilespmem:s14], [sflag:$0x2] =	stream.indirect.gather [hbm4b:s5+s12], $0x1, s1, s12, $0xb8;
	[tilespmem:$0x10A00] =	vst v63  }
0x76: {  	_ = 	snop  }
0x77: {  	[tilespmem:s16], [sflag:$0x3] =	stream.indirect.gather [hbm4b:s3+s12], $0x40, s15, s12, $0xb8;
	[tilespmem:$0x10A00] =	vst v63  }
0x78: {  	_ =	swait.ge [sflag:s18], $0x2000  }
0x79: {  	[sflag:s18] =	ssyncset.done $0x0  }
0x7a: {  	[sflag:s18] =	ssyncadd.s32 $0xFFFFE000  }
0x7b: {  	_ =	swait.ge [sflag:s19], $0x80  }
0x7c: {  	[sflag:s19] =	ssyncset.done $0x0  }
0x7d: {  	[sflag:s19] =	ssyncadd.s32 $0xFFFFFF80  }
0x7e: {  	_ =	swait.ge [sflag:s20], $0x2000  }
0x7f: {  	[sflag:s20] =	ssyncset.done $0x0  }
0x80: {  	[sflag:s20] =	ssyncadd.s32 $0xFFFFE000  }
0x81: {  	_ =	swait.ge [sflag:s18], $0x2000  }
0x82: {  	[sflag:s18] =	ssyncset.done $0x0  }
0x83: {  	[sflag:s18] =	ssyncadd.s32 $0xFFFFE000  }
0x84: {  	_ =	swait.ge [sflag:s19], $0x80  }
0x85: {  	[sflag:s19] =	ssyncset.done $0x0  }
0x86: {  	[sflag:s19] =	ssyncadd.s32 $0xFFFFFF80  }
0x87: {  	_ =	swait.ge [sflag:s20], $0x2000  }
0x88: {  	[sflag:s20] =	ssyncset.done $0x0  }
0x89: {  	[sflag:s20] =	ssyncadd.s32 $0xFFFFE000  }
0x8a: {  	_ =	swait.ge [sflag:s18], $0x2000  }
0x8b: {  	[sflag:s18] =	ssyncset.done $0x0  }
0x8c: {  	[sflag:s18] =	ssyncadd.s32 $0xFFFFE000  }
0x8d: {  	_ =	swait.ge [sflag:s19], $0x80  }
0x8e: {  	[sflag:s19] =	ssyncset.done $0x0  }
0x8f: {  	[sflag:s19] =	ssyncadd.s32 $0xFFFFFF80  }
0x90: {  	_ =	swait.ge [sflag:s20], $0x2000  }
0x91: {  	[sflag:s20] =	ssyncset.done $0x0  }
0x92: {  	[sflag:s20] =	ssyncadd.s32 $0xFFFFE000  }
0x93: {  	_ =	swait.ge [sflag:s18], $0x2000  }
0x94: {  	[sflag:s18] =	ssyncset.done $0x0  }
0x95: {  	[sflag:s18] =	ssyncadd.s32 $0xFFFFE000  }
0x96: {  	_ =	swait.ge [sflag:s19], $0x80  }
0x97: {  	[sflag:s19] =	ssyncset.done $0x0  }
0x98: {  	[sflag:s19] =	ssyncadd.s32 $0xFFFFFF80  }
0x99: {  	_ =	swait.ge [sflag:s20], $0x2000  }
0x9a: {  	[sflag:s20] =	ssyncset.done $0x0  }
0x9b: {  	s22 =	simm.s32 $0x0;
	[sflag:s20] =	ssyncadd.s32 $0xFFFFE000  }
.LBB2_2:
0x9c: {  	s23 =	sshll.u32 s22, $0x4  }
0x9d: {  	v3 =	vld [tilespmem:s23+$0x400]  }
0x9e: {  	v1 =	vmov s24  }
0x9f: {  	v2 =	vmov s23;
	v1 =	vand.u32 $0x3F, v1;
	v4 =	vld [tilespmem:s23+$0x800]  }
0xa0: {  	v2 =	vshll.u32 v2, $0x6;
	v5 =	vbroadcast v1, $0x0  }
0xa1: {  	v1 =	vor.u32 v0, v2  }
0xa2: {  	v2 =	vor.u32 v1, v5;
	v3 =	vshll.u32 v3, $0x3  }
0xa3: {  	v3 =	vand.u32 $0x18, v3  }
0xa4: {  	v3 =	vshra.s32 v4, v3  }
0xa5: {  	v3 =	vand.u32 $0xFF, v3  }
0xa6: {  	s23 =	simm.s32 $0x1;
	vm0 =	vne.s32 v3, $0x0  }
0xa7: {  	v5 =	vmov s23;
	v4 =	vld.idx.msk [tilespmem:v2+s17+$0x0], $0xffff  }
0xa8: {  	v5 =	vand.u32 $0x3F, v5  }
0xa9: {  	v5 =	vbroadcast v5, $0x0  }
0xaa: {  	s23 =	simm.s32 $0x2  }
0xab: {  	v3 =	vor.u32 v1, v5;
	v5 =	vmov s23;
	s23 =	simm.s32 $0x3  }
.LBB2_3:
0xac: {  	p0 =	sne.s32 s23, $0x3F;
	v5 =	vand.u32 $0x3F, v5;
	[tilespmem:v2+s13+$0x0] =	vst.idx.msk vm0, v4;
	v2 =	vmov v3  }
0xad: {  	v5 =	vbroadcast v5, $0x0;
	v4 =	vld.idx.msk [tilespmem:v3+s17+$0x0], $0xffff  }
.Ltmp0:
0xae: {  	(pc) =	sbr.rel @p0 .LBB2_3-.Ltmp0, $2  }
0xaf: {  	v3 =	vor.u32 v1, v5;
	_ =	sdelay $0x2  }
0xb0: {  	v5 =	vmov s23;
	s23 =	sadd.s32 $0x1, s23  }
0xb1: {  	_ =	sdelay $0x3  }
0xb2: {  	v5 =	vand.u32 $0x3F, v5  }
0xb3: {  	[tilespmem:v2+s13+$0x0] =	vst.idx.msk vm0, v4;
	v2 =	vbroadcast v5, $0x0  }
0xb4: {  	v4 =	vld.idx.msk [tilespmem:v3+s17+$0x0], $0xffff  }
0xb5: {  	v1 =	vor.u32 v1, v2;
	_ =	sdelay $0x3  }
0xb6: {  	s22 =	sadd.s32 $0x1, s22;
	[tilespmem:v3+s13+$0x0] =	vst.idx.msk vm0, v4  }
0xb7: {  	p0 =	sne.s32 s22, $0x20;
	v2 =	vld.idx.msk [tilespmem:v1+s17+$0x0], $0xffff  }
.Ltmp1:
0xb8: {  	_ = 	snop;
	(pc) =	sbr.rel @p0 .LBB2_2-.Ltmp1, $2  }
0xb9: {  	_ =	sdelay $0x2  }
0xba: {  	[tilespmem:v1+s13+$0x0] =	vst.idx.msk vm0, v2  }
0xbb: {  	s21 =	sadd.s32 $0x1, s21  }
0xbc: {  	p0 =	sne.s32 s21, s9  }
.Ltmp2:
0xbd: {  	_ = 	snop;
	(pc) =	sbr.rel @p0 .LBB2_1-.Ltmp2, $4  }
0xbe: {  	[hbm4b:s8+s2] =	stream.linear.scatter [tilespmem:s13], [sflag:$0x4], $0x8000, $0x38;
	[tilespmem:$0x10A00] =	vst v63  }
0xbf: {  	_ =	swait.ge [sflag:s10], $0x8000  }
0xc0: {  	[sflag:s10] =	ssyncset.done $0x0  }
0xc1: {  	[sflag:s10] =	ssyncadd.s32 $0xFFFF8000  }
0xc2: {  	_ =	sfence.sel $0x180000  }
0xc3: {  	[bflag:$0x0] =	sbarrier.arrive $0xFFFF  }
0xc4: {  	_ =	strace $0x9000004A  }
0xc5: {  	s0 =	stileid.u32;
	[bflag:$0x2] =	sbarrier.arrive $0xFFFF  }
0xc6: {  	p0 =	sne.s32 s0, $0x0;
	s0 =	rddreg [dreg:$0x4]  }
0xc7: {  	s0 =	sadd.s32 @!p0 $0x100000, s0  }
0xc8: {  	[sflag:s0] =	ssyncadd.tile.s32 @!p0 $0x1;
	_ =	shalt  }
.Lfunc_end2:
_tile_overlayer_lowered:
.L_overlay_start_2:
0xc9: {  	(tag) =	ssettag $0x2  }
0xca: {  	s0 =	rddreg [dreg:$0x0];
	s2 =	stileid.u32  }
0xcb: {  	s1 =	rddreg [dreg:$0x1];
	p0 =	sne.s32 s2, $0x0  }
0xcc: {  	s3 =	rddreg [dreg:$0x2];
	[bflag:$0x3] =	sbarrier.arrive $0xFFFF;
	s2 =	simm.s32 @!p0 $0x1C04  }
0xcd: {  	[timem:s3], [sflag:s2] =	dma.local @!p0 [hbm:s0], s1  }
0xce: {  	s0 =	simm.s32 @!p0 $0x4  }
0xcf: {  	_ =	swait.ge @!p0 [sflag:s0], s1  }
0xd0: {  	s1 =	ssub.s32 @!p0 $0x0, s1;
	[sflag:s0] =	ssyncset.done @!p0 $0x0  }
0xd1: {  	[sflag:s0] =	ssyncadd.s32 @!p0 s1  }
0xd2: {  	[bflag:$0x3] =	sbarrier.arrive $0xFFFF  }
0xd3: {  	_ =	shalt  }

</sc_bundles>
